<compile_context>
chip_gen: v7x
topology: tpu7x:2x2x1
jax: 0.10.2.dev20260603
libtpu: 0.0.44.dev20260713+nightly
codegen_flags: <defaults>
</compile_context>

<pallas_src>
import functools

import jax
import jax.numpy as jnp
from jax import lax
from jax.experimental import pallas as pl
from jax.experimental.pallas import tpu as pltpu
from jax.experimental.pallas import tpu_sc as plsc

N_NODES = 10000
N_PAD = 10240
N_EDGES = 320000
FEAT = 128
HFEAT = FEAT // 2
NC = 2
NS = 16
EPT = N_EDGES // NS
CHUNK = 80
NCHUNK = EPT // CHUNK
RPT = N_PAD // NS
ZROWS = 80
DROWS = N_PAD // 128
DRPT = DROWS // NS


def _project_body(x_ref, w_ref, a_ref, h_ref, s_ref):
    h = jnp.dot(x_ref[...], w_ref[...], preferred_element_type=jnp.float32)
    h_ref[0] = h[:, :HFEAT]
    h_ref[1] = h[:, HFEAT:]
    s_ref[...] = jnp.dot(h, a_ref[...], preferred_element_type=jnp.float32)


def _project(x, W, a2):
    blk = 2000
    return pl.pallas_call(
        _project_body,
        grid=(N_NODES // blk,),
        in_specs=[
            pl.BlockSpec((blk, FEAT), lambda i: (i, 0)),
            pl.BlockSpec((FEAT, FEAT), lambda i: (0, 0)),
            pl.BlockSpec((FEAT, 2), lambda i: (0, 0)),
        ],
        out_specs=[
            pl.BlockSpec((NC, blk, HFEAT), lambda i: (0, i, 0)),
            pl.BlockSpec((blk, 2), lambda i: (i, 0)),
        ],
        out_shape=[
            jax.ShapeDtypeStruct((NC, N_NODES, HFEAT), jnp.float32),
            jax.ShapeDtypeStruct((N_NODES, 2), jnp.float32),
        ],
    )(x, W, a2)


def _sc_edge_pass(hsplit, s1, s2, src3, dst3):
    mesh = plsc.VectorSubcoreMesh(core_axis_name="c", subcore_axis_name="s")

    @functools.partial(
        pl.kernel,
        mesh=mesh,
        compiler_params=pltpu.CompilerParams(
            needs_layout_passes=False, use_tc_tiling_on_sc=False),
        out_type=[
            jax.ShapeDtypeStruct((NC, N_PAD, HFEAT), jnp.float32),
            jax.ShapeDtypeStruct((NC, DROWS, 128), jnp.float32),
        ],
        scratch_types=[
            pltpu.VMEM((NCHUNK, CHUNK), jnp.int32),
            pltpu.VMEM((NCHUNK, CHUNK), jnp.int32),
            pltpu.VMEM((N_NODES,), jnp.float32),
            pltpu.VMEM((N_NODES,), jnp.float32),
            pltpu.VMEM((CHUNK,), jnp.float32),
            pltpu.VMEM((CHUNK, HFEAT), jnp.float32),
            pltpu.VMEM((CHUNK, HFEAT), jnp.float32),
            pltpu.VMEM((ZROWS, HFEAT), jnp.float32),
            pltpu.VMEM((DROWS, 128), jnp.float32),
            pltpu.VMEM((DROWS,), jnp.int32),
            pltpu.VMEM_SHARED((N_PAD, HFEAT), jnp.float32),
            pltpu.VMEM_SHARED((DROWS, 128), jnp.float32),
            pltpu.SemaphoreType.DMA,
        ],
    )
    def k(h_hbm, s1_hbm, s2_hbm, src_hbm, dst_hbm, out_hbm, den_hbm,
          src_v, dst_v, s1_v, s2_v, w_v, rows_v, scaled_v, z_v,
          den_v, idx_v, acc_sh, den_sh, sem):
        cid = lax.axis_index("c")
        sid = lax.axis_index("s")

        zero16 = jnp.zeros((16,), jnp.float32)
        iota16 = lax.iota(jnp.int32, 16)

        def zrow(r, _):
            for cc in range(HFEAT // 16):
                z_v[r, pl.ds(cc * 16, 16)] = zero16
            return 0

        lax.fori_loop(0, ZROWS, zrow, 0)
        for t in range(RPT // ZROWS):
            pltpu.sync_copy(z_v, acc_sh.at[pl.ds(sid * RPT + t * ZROWS, ZROWS)])

        def zden(r, _):
            for cc in range(128 // 16):
                den_v[r, pl.ds(cc * 16, 16)] = zero16
            return 0

        lax.fori_loop(0, DROWS, zden, 0)
        for t in range(DROWS // 16):
            idx_v[pl.ds(t * 16, 16)] = iota16 + (t * 16)

        @pl.when(sid == 0)
        def _():
            pltpu.sync_copy(den_v, den_sh)

        pltpu.sync_copy(src_hbm.at[sid], src_v)
        pltpu.sync_copy(dst_hbm.at[sid], dst_v)
        pltpu.sync_copy(s1_hbm, s1_v)
        pltpu.sync_copy(s2_hbm, s2_v)

        plsc.subcore_barrier()

        def chunk_body(g, _):
            gather = pltpu.async_copy(
                h_hbm.at[cid].at[src_v.at[g]], rows_v, sem)
            for j in range(CHUNK // 16):
                sv = src_v[g, pl.ds(j * 16, 16)]
                dv = dst_v[g, pl.ds(j * 16, 16)]
                e = plsc.load_gather(s1_v, [sv]) + plsc.load_gather(s2_v, [dv])
                e = jnp.where(e > 0.0, e, 0.2 * e)
                w = jnp.exp(e)
                w_v[pl.ds(j * 16, 16)] = w
                plsc.addupdate_scatter(
                    den_v, [lax.shift_right_logical(dv, 7),
                            lax.bitwise_and(dv, 127)], w)
            gather.wait()

            def scale_body(r, _):
                wv = plsc.load_gather(w_v, [jnp.full((16,), r, jnp.int32)])
                for cc in range(HFEAT // 16):
                    scaled_v[r, pl.ds(cc * 16, 16)] = (
                        rows_v[r, pl.ds(cc * 16, 16)] * wv)
                return 0

            lax.fori_loop(0, CHUNK, scale_body, 0)
            pltpu.sync_copy(scaled_v, acc_sh.at[dst_v.at[g]], add=True)
            return 0

        lax.fori_loop(0, NCHUNK, chunk_body, 0)

        pltpu.sync_copy(den_v, den_sh.at[idx_v], add=True)
        plsc.subcore_barrier()

        pltpu.sync_copy(den_sh.at[pl.ds(sid * DRPT, DRPT)],
                        den_hbm.at[cid, pl.ds(sid * DRPT, DRPT)])
        pltpu.sync_copy(acc_sh.at[pl.ds(sid * RPT, RPT)],
                        out_hbm.at[cid, pl.ds(sid * RPT, RPT)])

    return k(hsplit, s1, s2, src3, dst3)


def _finalize_body(p_ref, d_ref, o_ref):
    d0 = d_ref[0]
    d1 = d_ref[1]
    d0 = jnp.where(d0 == 0.0, 1.0, d0)
    d1 = jnp.where(d1 == 0.0, 1.0, d1)
    x = jnp.concatenate([p_ref[0] / d0, p_ref[1] / d1], axis=1)
    o_ref[...] = jnp.where(x > 0.0, x, jnp.exp(jnp.minimum(x, 0.0)) - 1.0)


def _finalize(partials, dens):
    blk = 2048
    return pl.pallas_call(
        _finalize_body,
        grid=(N_PAD // blk,),
        in_specs=[
            pl.BlockSpec((NC, blk, HFEAT), lambda i: (0, i, 0)),
            pl.BlockSpec((NC, blk, 1), lambda i: (0, i, 0)),
        ],
        out_specs=pl.BlockSpec((blk, FEAT), lambda i: (i, 0)),
        out_shape=jax.ShapeDtypeStruct((N_PAD, FEAT), jnp.float32),
    )(partials, dens)


def kernel(features, edge_src, edge_dst, W, a):
    x = features.reshape(N_NODES, FEAT)
    a2 = a.reshape(2, FEAT).T
    hsplit, s = _project(x, W, a2)
    s1 = s[:, 0]
    s2 = s[:, 1]
    src3 = edge_src.reshape(NS, NCHUNK, CHUNK)
    dst3 = edge_dst.reshape(NS, NCHUNK, CHUNK)
    partials, dens = _sc_edge_pass(hsplit, s1, s2, src3, dst3)
    out = _finalize(partials, dens.reshape(NC, N_PAD, 1))
    return out[:N_NODES].reshape(N_NODES, 1, FEAT)

# --- scband reference (transcript-rebuilt; emitter-appended) ---
"""Pipeline reference for scband-graph-attention-29738353557518 (READ-ONLY COPY).

The authoritative reference and input builder live on the scoring server;
editing this copy changes nothing except your own understanding.
"""

import jax, jax.numpy as jnp
import numpy as np

N_NODES = 10000
N_EDGES = 320000
IN_FEAT = 128
OUT_FEAT = 128
BATCH = 1


def setup_inputs(seed: int = 0) -> dict:
    key = jax.random.key(seed)
    k1, k2, k3, k4, k5 = jax.random.split(key, 5)
    features = jax.random.normal(k1, (N_NODES, BATCH, IN_FEAT), dtype=jnp.float32)
    edge_src = jax.random.randint(k2, (N_EDGES,), 0, N_NODES, dtype=jnp.int32)
    edge_dst = jax.random.randint(k3, (N_EDGES,), 0, N_NODES, dtype=jnp.int32)
    # learned parameters for the single attention head (glorot-ish scale)
    W = jax.random.normal(k4, (IN_FEAT, OUT_FEAT), dtype=jnp.float32) * 0.05
    a = jax.random.normal(k5, (2 * OUT_FEAT, 1), dtype=jnp.float32) * 0.05
    return {"features": features, "edge_src": edge_src, "edge_dst": edge_dst, "W": W, "a": a}


def reference(features, edge_src, edge_dst, W, a):
    # features: [N, B, in_feat]; single head, concat_heads=False, activation='elu'
    h = jnp.tensordot(features, W, axes=[[2], [0]])          # [N, B, out_feat]
    h_src = jnp.take(h, edge_src, axis=0)                    # [E, B, out_feat]
    h_dst = jnp.take(h, edge_dst, axis=0)                    # [E, B, out_feat]
    concat = jnp.concatenate([h_src, h_dst], axis=-1)        # [E, B, 2*out_feat]
    e = jnp.squeeze(jnp.tensordot(concat, a, axes=[[2], [0]]), axis=-1)  # [E, B]
    e = jax.nn.leaky_relu(e, negative_slope=0.2)             # tf.nn.leaky_relu default alpha=0.2
    exp_e = jnp.exp(e)                                       # [E, B]
    denom = jax.ops.segment_sum(exp_e, edge_dst, num_segments=N_NODES)  # [N, B]
    alpha = exp_e / jnp.take(denom, edge_dst, axis=0)        # [E, B]
    weighted_src = h_src * alpha[..., None]                  # [E, B, out_feat]
    node_repr = jax.ops.segment_sum(weighted_src, edge_dst, num_segments=N_NODES)  # [N, B, out_feat]
    # attn_heads=1, concat_heads=False -> add_n([x]) / 1 == x
    return jax.nn.elu(node_repr)

if __name__ == "__main__":
    import jax
    _d = setup_inputs()
    print(jax.jit(kernel)(*tuple(_d.values())))

</pallas_src>

<mosaic_0001>
#map = affine_map<(d0, d1) -> (0, 0, 0)>
#map1 = affine_map<(d0, d1) -> (0)>
module attributes {stable_mosaic.version = 14 : i64} {
  func.func @k(%arg0: i32, %arg1: i32, %arg2: memref<2x10000x64xf32, #tpu.memory_space<hbm>>, %arg3: memref<10000xf32, #tpu.memory_space<hbm>>, %arg4: memref<10000xf32, #tpu.memory_space<hbm>>, %arg5: memref<16x250x80xi32, #tpu.memory_space<hbm>>, %arg6: memref<16x250x80xi32, #tpu.memory_space<hbm>>, %arg7: memref<2x10240x64xf32, #tpu.memory_space<hbm>>, %arg8: memref<2x80x128xf32, #tpu.memory_space<hbm>>, %arg9: memref<250x80xi32, #tpu.memory_space<vmem>>, %arg10: memref<250x80xi32, #tpu.memory_space<vmem>>, %arg11: memref<10000xf32, #tpu.memory_space<vmem>>, %arg12: memref<10000xf32, #tpu.memory_space<vmem>>, %arg13: memref<80xf32, #tpu.memory_space<vmem>>, %arg14: memref<80x64xf32, #tpu.memory_space<vmem>>, %arg15: memref<80x64xf32, #tpu.memory_space<vmem>>, %arg16: memref<80x64xf32, #tpu.memory_space<vmem>>, %arg17: memref<80x128xf32, #tpu.memory_space<vmem>>, %arg18: memref<80xi32, #tpu.memory_space<vmem>>, %arg19: memref<10240x64xf32, #tpu.memory_space<vmem_shared>>, %arg20: memref<80x128xf32, #tpu.memory_space<vmem_shared>>, %arg21: memref<!tpu.dma_semaphore, #tpu.memory_space<semaphore_mem>>) attributes {dimension_semantics = [#tpu.dimension_semantics<core_parallel>, #tpu.dimension_semantics<subcore_parallel>], iteration_bounds = array<i64: 2, 16>, scalar_prefetch = 0 : i64, scratch_operands = 13 : i64, tpu.core_type = #tpu.core_type<sc_vector_subcore>, window_params = [{transform_indices = #map}, {transform_indices = #map1}, {transform_indices = #map1}, {transform_indices = #map}, {transform_indices = #map}, {transform_indices = #map}, {transform_indices = #map}]} {
    %broadcast_in_dim3A = arith.constant 0.000000e+00 : f32
    %broadcast_in_dim3A_0 = vector.broadcast %broadcast_in_dim3A : f32 to vector<16xf32>
    %iota3A = tpu.iota {dimensions = array<i32: 0>} : vector<16xi32>
    %scan3A = arith.constant 0 : i32
    %scan3A_1 = arith.constant 0 : i32
    %scan3A_2 = arith.constant 80 : i32
    %scan3A_3 = arith.addi %scan3A_1, %scan3A_2 : i32
    %scan3A_4 = arith.constant 1 : i32
    %scan3A_5 = scf.for %scan3A_86 = %scan3A_1 to %scan3A_3 step %scan3A_4 iter_args(%scan3A_87 = %scan3A) -> (i32)  : i32 {
      %swap3A_88 = arith.index_cast %scan3A_86 : i32 to index
      %swap3A_89 = arith.constant 0 : index
      %swap3A_90 = tpu.vector_load %arg16[%swap3A_88, %swap3A_89] {strides = array<i32>} : memref<80x64xf32, #tpu.memory_space<vmem>>, vector<16xf32>,
      tpu.vector_store %arg16[%swap3A_88, %swap3A_89], %broadcast_in_dim3A_0 {strides = array<i32>} : memref<80x64xf32, #tpu.memory_space<vmem>>, vector<16xf32>,
      %swap3A_91 = arith.index_cast %scan3A_86 : i32 to index
      %swap3A_92 = arith.constant 16 : index
      %swap3A_93 = tpu.vector_load %arg16[%swap3A_91, %swap3A_92] {strides = array<i32>} : memref<80x64xf32, #tpu.memory_space<vmem>>, vector<16xf32>,
      tpu.vector_store %arg16[%swap3A_91, %swap3A_92], %broadcast_in_dim3A_0 {strides = array<i32>} : memref<80x64xf32, #tpu.memory_space<vmem>>, vector<16xf32>,
      %swap3A_94 = arith.index_cast %scan3A_86 : i32 to index
      %swap3A_95 = arith.constant 32 : index
      %swap3A_96 = tpu.vector_load %arg16[%swap3A_94, %swap3A_95] {strides = array<i32>} : memref<80x64xf32, #tpu.memory_space<vmem>>, vector<16xf32>,
      tpu.vector_store %arg16[%swap3A_94, %swap3A_95], %broadcast_in_dim3A_0 {strides = array<i32>} : memref<80x64xf32, #tpu.memory_space<vmem>>, vector<16xf32>,
      %swap3A_97 = arith.index_cast %scan3A_86 : i32 to index
      %swap3A_98 = arith.constant 48 : index
      %swap3A_99 = tpu.vector_load %arg16[%swap3A_97, %swap3A_98] {strides = array<i32>} : memref<80x64xf32, #tpu.memory_space<vmem>>, vector<16xf32>,
      tpu.vector_store %arg16[%swap3A_97, %swap3A_98], %broadcast_in_dim3A_0 {strides = array<i32>} : memref<80x64xf32, #tpu.memory_space<vmem>>, vector<16xf32>,
      %scan3A_100 = arith.constant 0 : i32
      scf.yield %scan3A_100 : i32
    }
    %scan3A_6 = arith.constant 80 : i32
    %mul3A = arith.constant 640 : i32
    %mul3A_7 = arith.muli %arg1, %mul3A : i32
    %add3A = arith.constant 0 : i32
    %add3A_8 = arith.addi %mul3A_7, %add3A : i32
    "tpu.region"() ({
      %run_scoped3A = tpu.sem_alloc : memref<!tpu.dma_semaphore, #tpu.memory_space<semaphore_mem>>
      %dma_start3A = arith.constant 0 : i32
      %dma_start3A_86 = tpu.memref_slice %arg19[%add3A_8, %dma_start3A] : memref<10240x64xf32, #tpu.memory_space<vmem_shared>> -> memref<80x64xf32, #tpu.memory_space<vmem_shared>>
      %dma_start3A_87 = arith.constant 0 : i32
      %dma_start3A_88 = tpu.memref_slice %arg19[%add3A_8, %dma_start3A_87] : memref<10240x64xf32, #tpu.memory_space<vmem_shared>> -> memref<80x64xf32, #tpu.memory_space<vmem_shared>>
      tpu.enqueue_dma source(%arg16 : memref<80x64xf32, #tpu.memory_space<vmem>>) target(%dma_start3A_88 : memref<80x64xf32, #tpu.memory_space<vmem_shared>>) target_semaphore(%run_scoped3A : memref<!tpu.dma_semaphore, #tpu.memory_space<semaphore_mem>>)
      %dma_wait3A = arith.constant 0 : i32
      %dma_wait3A_89 = tpu.memref_slice %arg19[%add3A_8, %dma_wait3A] : memref<10240x64xf32, #tpu.memory_space<vmem_shared>> -> memref<80x64xf32, #tpu.memory_space<vmem_shared>>
      %dma_wait3A_90 = arith.constant 0 : i32
      %dma_wait3A_91 = tpu.memref_slice %arg19[%add3A_8, %dma_wait3A_90] : memref<10240x64xf32, #tpu.memory_space<vmem_shared>> -> memref<80x64xf32, #tpu.memory_space<vmem_shared>>
      tpu.wait_dma2 semaphore(%run_scoped3A : memref<!tpu.dma_semaphore, #tpu.memory_space<semaphore_mem>>) src(%arg16 : memref<80x64xf32, #tpu.memory_space<vmem>>) dst(%dma_wait3A_91 : memref<80x64xf32, #tpu.memory_space<vmem_shared>>)
      tpu.yield
    }) : () -> ()
    %mul3A_9 = arith.constant 640 : i32
    %mul3A_10 = arith.muli %arg1, %mul3A_9 : i32
    %add3A_11 = arith.constant 80 : i32
    %add3A_12 = arith.addi %mul3A_10, %add3A_11 : i32
    "tpu.region"() ({
      %run_scoped3A = tpu.sem_alloc : memref<!tpu.dma_semaphore, #tpu.memory_space<semaphore_mem>>
      %dma_start3A = arith.constant 0 : i32
      %dma_start3A_86 = tpu.memref_slice %arg19[%add3A_12, %dma_start3A] : memref<10240x64xf32, #tpu.memory_space<vmem_shared>> -> memref<80x64xf32, #tpu.memory_space<vmem_shared>>
      %dma_start3A_87 = arith.constant 0 : i32
      %dma_start3A_88 = tpu.memref_slice %arg19[%add3A_12, %dma_start3A_87] : memref<10240x64xf32, #tpu.memory_space<vmem_shared>> -> memref<80x64xf32, #tpu.memory_space<vmem_shared>>
      tpu.enqueue_dma source(%arg16 : memref<80x64xf32, #tpu.memory_space<vmem>>) target(%dma_start3A_88 : memref<80x64xf32, #tpu.memory_space<vmem_shared>>) target_semaphore(%run_scoped3A : memref<!tpu.dma_semaphore, #tpu.memory_space<semaphore_mem>>)
      %dma_wait3A = arith.constant 0 : i32
      %dma_wait3A_89 = tpu.memref_slice %arg19[%add3A_12, %dma_wait3A] : memref<10240x64xf32, #tpu.memory_space<vmem_shared>> -> memref<80x64xf32, #tpu.memory_space<vmem_shared>>
      %dma_wait3A_90 = arith.constant 0 : i32
      %dma_wait3A_91 = tpu.memref_slice %arg19[%add3A_12, %dma_wait3A_90] : memref<10240x64xf32, #tpu.memory_space<vmem_shared>> -> memref<80x64xf32, #tpu.memory_space<vmem_shared>>
      tpu.wait_dma2 semaphore(%run_scoped3A : memref<!tpu.dma_semaphore, #tpu.memory_space<semaphore_mem>>) src(%arg16 : memref<80x64xf32, #tpu.memory_space<vmem>>) dst(%dma_wait3A_91 : memref<80x64xf32, #tpu.memory_space<vmem_shared>>)
      tpu.yield
    }) : () -> ()
    %mul3A_13 = arith.constant 640 : i32
    %mul3A_14 = arith.muli %arg1, %mul3A_13 : i32
    %add3A_15 = arith.constant 160 : i32
    %add3A_16 = arith.addi %mul3A_14, %add3A_15 : i32
    "tpu.region"() ({
      %run_scoped3A = tpu.sem_alloc : memref<!tpu.dma_semaphore, #tpu.memory_space<semaphore_mem>>
      %dma_start3A = arith.constant 0 : i32
      %dma_start3A_86 = tpu.memref_slice %arg19[%add3A_16, %dma_start3A] : memref<10240x64xf32, #tpu.memory_space<vmem_shared>> -> memref<80x64xf32, #tpu.memory_space<vmem_shared>>
      %dma_start3A_87 = arith.constant 0 : i32
      %dma_start3A_88 = tpu.memref_slice %arg19[%add3A_16, %dma_start3A_87] : memref<10240x64xf32, #tpu.memory_space<vmem_shared>> -> memref<80x64xf32, #tpu.memory_space<vmem_shared>>
      tpu.enqueue_dma source(%arg16 : memref<80x64xf32, #tpu.memory_space<vmem>>) target(%dma_start3A_88 : memref<80x64xf32, #tpu.memory_space<vmem_shared>>) target_semaphore(%run_scoped3A : memref<!tpu.dma_semaphore, #tpu.memory_space<semaphore_mem>>)
      %dma_wait3A = arith.constant 0 : i32
      %dma_wait3A_89 = tpu.memref_slice %arg19[%add3A_16, %dma_wait3A] : memref<10240x64xf32, #tpu.memory_space<vmem_shared>> -> memref<80x64xf32, #tpu.memory_space<vmem_shared>>
      %dma_wait3A_90 = arith.constant 0 : i32
      %dma_wait3A_91 = tpu.memref_slice %arg19[%add3A_16, %dma_wait3A_90] : memref<10240x64xf32, #tpu.memory_space<vmem_shared>> -> memref<80x64xf32, #tpu.memory_space<vmem_shared>>
      tpu.wait_dma2 semaphore(%run_scoped3A : memref<!tpu.dma_semaphore, #tpu.memory_space<semaphore_mem>>) src(%arg16 : memref<80x64xf32, #tpu.memory_space<vmem>>) dst(%dma_wait3A_91 : memref<80x64xf32, #tpu.memory_space<vmem_shared>>)
      tpu.yield
    }) : () -> ()
    %mul3A_17 = arith.constant 640 : i32
    %mul3A_18 = arith.muli %arg1, %mul3A_17 : i32
    %add3A_19 = arith.constant 240 : i32
    %add3A_20 = arith.addi %mul3A_18, %add3A_19 : i32
    "tpu.region"() ({
      %run_scoped3A = tpu.sem_alloc : memref<!tpu.dma_semaphore, #tpu.memory_space<semaphore_mem>>
      %dma_start3A = arith.constant 0 : i32
      %dma_start3A_86 = tpu.memref_slice %arg19[%add3A_20, %dma_start3A] : memref<10240x64xf32, #tpu.memory_space<vmem_shared>> -> memref<80x64xf32, #tpu.memory_space<vmem_shared>>
      %dma_start3A_87 = arith.constant 0 : i32
      %dma_start3A_88 = tpu.memref_slice %arg19[%add3A_20, %dma_start3A_87] : memref<10240x64xf32, #tpu.memory_space<vmem_shared>> -> memref<80x64xf32, #tpu.memory_space<vmem_shared>>
      tpu.enqueue_dma source(%arg16 : memref<80x64xf32, #tpu.memory_space<vmem>>) target(%dma_start3A_88 : memref<80x64xf32, #tpu.memory_space<vmem_shared>>) target_semaphore(%run_scoped3A : memref<!tpu.dma_semaphore, #tpu.memory_space<semaphore_mem>>)
      %dma_wait3A = arith.constant 0 : i32
      %dma_wait3A_89 = tpu.memref_slice %arg19[%add3A_20, %dma_wait3A] : memref<10240x64xf32, #tpu.memory_space<vmem_shared>> -> memref<80x64xf32, #tpu.memory_space<vmem_shared>>
      %dma_wait3A_90 = arith.constant 0 : i32
      %dma_wait3A_91 = tpu.memref_slice %arg19[%add3A_20, %dma_wait3A_90] : memref<10240x64xf32, #tpu.memory_space<vmem_shared>> -> memref<80x64xf32, #tpu.memory_space<vmem_shared>>
      tpu.wait_dma2 semaphore(%run_scoped3A : memref<!tpu.dma_semaphore, #tpu.memory_space<semaphore_mem>>) src(%arg16 : memref<80x64xf32, #tpu.memory_space<vmem>>) dst(%dma_wait3A_91 : memref<80x64xf32, #tpu.memory_space<vmem_shared>>)
      tpu.yield
    }) : () -> ()
    %mul3A_21 = arith.constant 640 : i32
    %mul3A_22 = arith.muli %arg1, %mul3A_21 : i32
    %add3A_23 = arith.constant 320 : i32
    %add3A_24 = arith.addi %mul3A_22, %add3A_23 : i32
    "tpu.region"() ({
      %run_scoped3A = tpu.sem_alloc : memref<!tpu.dma_semaphore, #tpu.memory_space<semaphore_mem>>
      %dma_start3A = arith.constant 0 : i32
      %dma_start3A_86 = tpu.memref_slice %arg19[%add3A_24, %dma_start3A] : memref<10240x64xf32, #tpu.memory_space<vmem_shared>> -> memref<80x64xf32, #tpu.memory_space<vmem_shared>>
      %dma_start3A_87 = arith.constant 0 : i32
      %dma_start3A_88 = tpu.memref_slice %arg19[%add3A_24, %dma_start3A_87] : memref<10240x64xf32, #tpu.memory_space<vmem_shared>> -> memref<80x64xf32, #tpu.memory_space<vmem_shared>>
      tpu.enqueue_dma source(%arg16 : memref<80x64xf32, #tpu.memory_space<vmem>>) target(%dma_start3A_88 : memref<80x64xf32, #tpu.memory_space<vmem_shared>>) target_semaphore(%run_scoped3A : memref<!tpu.dma_semaphore, #tpu.memory_space<semaphore_mem>>)
      %dma_wait3A = arith.constant 0 : i32
      %dma_wait3A_89 = tpu.memref_slice %arg19[%add3A_24, %dma_wait3A] : memref<10240x64xf32, #tpu.memory_space<vmem_shared>> -> memref<80x64xf32, #tpu.memory_space<vmem_shared>>
      %dma_wait3A_90 = arith.constant 0 : i32
      %dma_wait3A_91 = tpu.memref_slice %arg19[%add3A_24, %dma_wait3A_90] : memref<10240x64xf32, #tpu.memory_space<vmem_shared>> -> memref<80x64xf32, #tpu.memory_space<vmem_shared>>
      tpu.wait_dma2 semaphore(%run_scoped3A : memref<!tpu.dma_semaphore, #tpu.memory_space<semaphore_mem>>) src(%arg16 : memref<80x64xf32, #tpu.memory_space<vmem>>) dst(%dma_wait3A_91 : memref<80x64xf32, #tpu.memory_space<vmem_shared>>)
      tpu.yield
    }) : () -> ()
    %mul3A_25 = arith.constant 640 : i32
    %mul3A_26 = arith.muli %arg1, %mul3A_25 : i32
    %add3A_27 = arith.constant 400 : i32
    %add3A_28 = arith.addi %mul3A_26, %add3A_27 : i32
    "tpu.region"() ({
      %run_scoped3A = tpu.sem_alloc : memref<!tpu.dma_semaphore, #tpu.memory_space<semaphore_mem>>
      %dma_start3A = arith.constant 0 : i32
      %dma_start3A_86 = tpu.memref_slice %arg19[%add3A_28, %dma_start3A] : memref<10240x64xf32, #tpu.memory_space<vmem_shared>> -> memref<80x64xf32, #tpu.memory_space<vmem_shared>>
      %dma_start3A_87 = arith.constant 0 : i32
      %dma_start3A_88 = tpu.memref_slice %arg19[%add3A_28, %dma_start3A_87] : memref<10240x64xf32, #tpu.memory_space<vmem_shared>> -> memref<80x64xf32, #tpu.memory_space<vmem_shared>>
      tpu.enqueue_dma source(%arg16 : memref<80x64xf32, #tpu.memory_space<vmem>>) target(%dma_start3A_88 : memref<80x64xf32, #tpu.memory_space<vmem_shared>>) target_semaphore(%run_scoped3A : memref<!tpu.dma_semaphore, #tpu.memory_space<semaphore_mem>>)
      %dma_wait3A = arith.constant 0 : i32
      %dma_wait3A_89 = tpu.memref_slice %arg19[%add3A_28, %dma_wait3A] : memref<10240x64xf32, #tpu.memory_space<vmem_shared>> -> memref<80x64xf32, #tpu.memory_space<vmem_shared>>
      %dma_wait3A_90 = arith.constant 0 : i32
      %dma_wait3A_91 = tpu.memref_slice %arg19[%add3A_28, %dma_wait3A_90] : memref<10240x64xf32, #tpu.memory_space<vmem_shared>> -> memref<80x64xf32, #tpu.memory_space<vmem_shared>>
      tpu.wait_dma2 semaphore(%run_scoped3A : memref<!tpu.dma_semaphore, #tpu.memory_space<semaphore_mem>>) src(%arg16 : memref<80x64xf32, #tpu.memory_space<vmem>>) dst(%dma_wait3A_91 : memref<80x64xf32, #tpu.memory_space<vmem_shared>>)
      tpu.yield
    }) : () -> ()
    %mul3A_29 = arith.constant 640 : i32
    %mul3A_30 = arith.muli %arg1, %mul3A_29 : i32
    %add3A_31 = arith.constant 480 : i32
    %add3A_32 = arith.addi %mul3A_30, %add3A_31 : i32
    "tpu.region"() ({
      %run_scoped3A = tpu.sem_alloc : memref<!tpu.dma_semaphore, #tpu.memory_space<semaphore_mem>>
      %dma_start3A = arith.constant 0 : i32
      %dma_start3A_86 = tpu.memref_slice %arg19[%add3A_32, %dma_start3A] : memref<10240x64xf32, #tpu.memory_space<vmem_shared>> -> memref<80x64xf32, #tpu.memory_space<vmem_shared>>
      %dma_start3A_87 = arith.constant 0 : i32
      %dma_start3A_88 = tpu.memref_slice %arg19[%add3A_32, %dma_start3A_87] : memref<10240x64xf32, #tpu.memory_space<vmem_shared>> -> memref<80x64xf32, #tpu.memory_space<vmem_shared>>
      tpu.enqueue_dma source(%arg16 : memref<80x64xf32, #tpu.memory_space<vmem>>) target(%dma_start3A_88 : memref<80x64xf32, #tpu.memory_space<vmem_shared>>) target_semaphore(%run_scoped3A : memref<!tpu.dma_semaphore, #tpu.memory_space<semaphore_mem>>)
      %dma_wait3A = arith.constant 0 : i32
      %dma_wait3A_89 = tpu.memref_slice %arg19[%add3A_32, %dma_wait3A] : memref<10240x64xf32, #tpu.memory_space<vmem_shared>> -> memref<80x64xf32, #tpu.memory_space<vmem_shared>>
      %dma_wait3A_90 = arith.constant 0 : i32
      %dma_wait3A_91 = tpu.memref_slice %arg19[%add3A_32, %dma_wait3A_90] : memref<10240x64xf32, #tpu.memory_space<vmem_shared>> -> memref<80x64xf32, #tpu.memory_space<vmem_shared>>
      tpu.wait_dma2 semaphore(%run_scoped3A : memref<!tpu.dma_semaphore, #tpu.memory_space<semaphore_mem>>) src(%arg16 : memref<80x64xf32, #tpu.memory_space<vmem>>) dst(%dma_wait3A_91 : memref<80x64xf32, #tpu.memory_space<vmem_shared>>)
      tpu.yield
    }) : () -> ()
    %mul3A_33 = arith.constant 640 : i32
    %mul3A_34 = arith.muli %arg1, %mul3A_33 : i32
    %add3A_35 = arith.constant 560 : i32
    %add3A_36 = arith.addi %mul3A_34, %add3A_35 : i32
    "tpu.region"() ({
      %run_scoped3A = tpu.sem_alloc : memref<!tpu.dma_semaphore, #tpu.memory_space<semaphore_mem>>
      %dma_start3A = arith.constant 0 : i32
      %dma_start3A_86 = tpu.memref_slice %arg19[%add3A_36, %dma_start3A] : memref<10240x64xf32, #tpu.memory_space<vmem_shared>> -> memref<80x64xf32, #tpu.memory_space<vmem_shared>>
      %dma_start3A_87 = arith.constant 0 : i32
      %dma_start3A_88 = tpu.memref_slice %arg19[%add3A_36, %dma_start3A_87] : memref<10240x64xf32, #tpu.memory_space<vmem_shared>> -> memref<80x64xf32, #tpu.memory_space<vmem_shared>>
      tpu.enqueue_dma source(%arg16 : memref<80x64xf32, #tpu.memory_space<vmem>>) target(%dma_start3A_88 : memref<80x64xf32, #tpu.memory_space<vmem_shared>>) target_semaphore(%run_scoped3A : memref<!tpu.dma_semaphore, #tpu.memory_space<semaphore_mem>>)
      %dma_wait3A = arith.constant 0 : i32
      %dma_wait3A_89 = tpu.memref_slice %arg19[%add3A_36, %dma_wait3A] : memref<10240x64xf32, #tpu.memory_space<vmem_shared>> -> memref<80x64xf32, #tpu.memory_space<vmem_shared>>
      %dma_wait3A_90 = arith.constant 0 : i32
      %dma_wait3A_91 = tpu.memref_slice %arg19[%add3A_36, %dma_wait3A_90] : memref<10240x64xf32, #tpu.memory_space<vmem_shared>> -> memref<80x64xf32, #tpu.memory_space<vmem_shared>>
      tpu.wait_dma2 semaphore(%run_scoped3A : memref<!tpu.dma_semaphore, #tpu.memory_space<semaphore_mem>>) src(%arg16 : memref<80x64xf32, #tpu.memory_space<vmem>>) dst(%dma_wait3A_91 : memref<80x64xf32, #tpu.memory_space<vmem_shared>>)
      tpu.yield
    }) : () -> ()
    %scan3A_37 = arith.constant 0 : i32
    %scan3A_38 = arith.constant 0 : i32
    %scan3A_39 = arith.constant 80 : i32
    %scan3A_40 = arith.addi %scan3A_38, %scan3A_39 : i32
    %scan3A_41 = arith.constant 1 : i32
    %scan3A_42 = scf.for %scan3A_86 = %scan3A_38 to %scan3A_40 step %scan3A_41 iter_args(%scan3A_87 = %scan3A_37) -> (i32)  : i32 {
      %swap3A_88 = arith.index_cast %scan3A_86 : i32 to index
      %swap3A_89 = arith.constant 0 : index
      %swap3A_90 = tpu.vector_load %arg17[%swap3A_88, %swap3A_89] {strides = array<i32>} : memref<80x128xf32, #tpu.memory_space<vmem>>, vector<16xf32>,
      tpu.vector_store %arg17[%swap3A_88, %swap3A_89], %broadcast_in_dim3A_0 {strides = array<i32>} : memref<80x128xf32, #tpu.memory_space<vmem>>, vector<16xf32>,
      %swap3A_91 = arith.index_cast %scan3A_86 : i32 to index
      %swap3A_92 = arith.constant 16 : index
      %swap3A_93 = tpu.vector_load %arg17[%swap3A_91, %swap3A_92] {strides = array<i32>} : memref<80x128xf32, #tpu.memory_space<vmem>>, vector<16xf32>,
      tpu.vector_store %arg17[%swap3A_91, %swap3A_92], %broadcast_in_dim3A_0 {strides = array<i32>} : memref<80x128xf32, #tpu.memory_space<vmem>>, vector<16xf32>,
      %swap3A_94 = arith.index_cast %scan3A_86 : i32 to index
      %swap3A_95 = arith.constant 32 : index
      %swap3A_96 = tpu.vector_load %arg17[%swap3A_94, %swap3A_95] {strides = array<i32>} : memref<80x128xf32, #tpu.memory_space<vmem>>, vector<16xf32>,
      tpu.vector_store %arg17[%swap3A_94, %swap3A_95], %broadcast_in_dim3A_0 {strides = array<i32>} : memref<80x128xf32, #tpu.memory_space<vmem>>, vector<16xf32>,
      %swap3A_97 = arith.index_cast %scan3A_86 : i32 to index
      %swap3A_98 = arith.constant 48 : index
      %swap3A_99 = tpu.vector_load %arg17[%swap3A_97, %swap3A_98] {strides = array<i32>} : memref<80x128xf32, #tpu.memory_space<vmem>>, vector<16xf32>,
      tpu.vector_store %arg17[%swap3A_97, %swap3A_98], %broadcast_in_dim3A_0 {strides = array<i32>} : memref<80x128xf32, #tpu.memory_space<vmem>>, vector<16xf32>,
      %swap3A_100 = arith.index_cast %scan3A_86 : i32 to index
      %swap3A_101 = arith.constant 64 : index
      %swap3A_102 = tpu.vector_load %arg17[%swap3A_100, %swap3A_101] {strides = array<i32>} : memref<80x128xf32, #tpu.memory_space<vmem>>, vector<16xf32>,
      tpu.vector_store %arg17[%swap3A_100, %swap3A_101], %broadcast_in_dim3A_0 {strides = array<i32>} : memref<80x128xf32, #tpu.memory_space<vmem>>, vector<16xf32>,
      %swap3A_103 = arith.index_cast %scan3A_86 : i32 to index
      %swap3A_104 = arith.constant 80 : index
      %swap3A_105 = tpu.vector_load %arg17[%swap3A_103, %swap3A_104] {strides = array<i32>} : memref<80x128xf32, #tpu.memory_space<vmem>>, vector<16xf32>,
      tpu.vector_store %arg17[%swap3A_103, %swap3A_104], %broadcast_in_dim3A_0 {strides = array<i32>} : memref<80x128xf32, #tpu.memory_space<vmem>>, vector<16xf32>,
      %swap3A_106 = arith.index_cast %scan3A_86 : i32 to index
      %swap3A_107 = arith.constant 96 : index
      %swap3A_108 = tpu.vector_load %arg17[%swap3A_106, %swap3A_107] {strides = array<i32>} : memref<80x128xf32, #tpu.memory_space<vmem>>, vector<16xf32>,
      tpu.vector_store %arg17[%swap3A_106, %swap3A_107], %broadcast_in_dim3A_0 {strides = array<i32>} : memref<80x128xf32, #tpu.memory_space<vmem>>, vector<16xf32>,
      %swap3A_109 = arith.index_cast %scan3A_86 : i32 to index
      %swap3A_110 = arith.constant 112 : index
      %swap3A_111 = tpu.vector_load %arg17[%swap3A_109, %swap3A_110] {strides = array<i32>} : memref<80x128xf32, #tpu.memory_space<vmem>>, vector<16xf32>,
      tpu.vector_store %arg17[%swap3A_109, %swap3A_110], %broadcast_in_dim3A_0 {strides = array<i32>} : memref<80x128xf32, #tpu.memory_space<vmem>>, vector<16xf32>,
      %scan3A_112 = arith.constant 0 : i32
      scf.yield %scan3A_112 : i32
    }
    %scan3A_43 = arith.constant 80 : i32
    %add3A_44 = arith.constant 0 : i32
    %add3A_45 = vector.broadcast %add3A_44 : i32 to vector<16xi32>
    %add3A_46 = arith.addi %iota3A, %add3A_45 : vector<16xi32>
    %swap3A = arith.constant 0 : index
    %swap3A_47 = tpu.vector_load %arg18[%swap3A] {strides = array<i32>} : memref<80xi32, #tpu.memory_space<vmem>>, vector<16xi32>,
    tpu.vector_store %arg18[%swap3A], %add3A_46 {strides = array<i32>} : memref<80xi32, #tpu.memory_space<vmem>>, vector<16xi32>,
    %add3A_48 = arith.constant 16 : i32
    %add3A_49 = vector.broadcast %add3A_48 : i32 to vector<16xi32>
    %add3A_50 = arith.addi %iota3A, %add3A_49 : vector<16xi32>
    %swap3A_51 = arith.constant 16 : index
    %swap3A_52 = tpu.vector_load %arg18[%swap3A_51] {strides = array<i32>} : memref<80xi32, #tpu.memory_space<vmem>>, vector<16xi32>,
    tpu.vector_store %arg18[%swap3A_51], %add3A_50 {strides = array<i32>} : memref<80xi32, #tpu.memory_space<vmem>>, vector<16xi32>,
    %add3A_53 = arith.constant 32 : i32
    %add3A_54 = vector.broadcast %add3A_53 : i32 to vector<16xi32>
    %add3A_55 = arith.addi %iota3A, %add3A_54 : vector<16xi32>
    %swap3A_56 = arith.constant 32 : index
    %swap3A_57 = tpu.vector_load %arg18[%swap3A_56] {strides = array<i32>} : memref<80xi32, #tpu.memory_space<vmem>>, vector<16xi32>,
    tpu.vector_store %arg18[%swap3A_56], %add3A_55 {strides = array<i32>} : memref<80xi32, #tpu.memory_space<vmem>>, vector<16xi32>,
    %add3A_58 = arith.constant 48 : i32
    %add3A_59 = vector.broadcast %add3A_58 : i32 to vector<16xi32>
    %add3A_60 = arith.addi %iota3A, %add3A_59 : vector<16xi32>
    %swap3A_61 = arith.constant 48 : index
    %swap3A_62 = tpu.vector_load %arg18[%swap3A_61] {strides = array<i32>} : memref<80xi32, #tpu.memory_space<vmem>>, vector<16xi32>,
    tpu.vector_store %arg18[%swap3A_61], %add3A_60 {strides = array<i32>} : memref<80xi32, #tpu.memory_space<vmem>>, vector<16xi32>,
    %add3A_63 = arith.constant 64 : i32
    %add3A_64 = vector.broadcast %add3A_63 : i32 to vector<16xi32>
    %add3A_65 = arith.addi %iota3A, %add3A_64 : vector<16xi32>
    %swap3A_66 = arith.constant 64 : index
    %swap3A_67 = tpu.vector_load %arg18[%swap3A_66] {strides = array<i32>} : memref<80xi32, #tpu.memory_space<vmem>>, vector<16xi32>,
    tpu.vector_store %arg18[%swap3A_66], %add3A_65 {strides = array<i32>} : memref<80xi32, #tpu.memory_space<vmem>>, vector<16xi32>,
    %eq3A = arith.constant 0 : i32
    %eq3A_68 = arith.cmpi eq, %arg1, %eq3A : i32
    %convert_element_type3A = arith.extui %eq3A_68 : i1 to i32
    %cond3A = arith.constant 0 : i32
    %cond3A_69 = arith.cmpi ne, %convert_element_type3A, %cond3A : i32
    scf.if %cond3A_69 {
      "tpu.region"() ({
        %run_scoped3A = tpu.sem_alloc : memref<!tpu.dma_semaphore, #tpu.memory_space<semaphore_mem>>
        tpu.enqueue_dma source(%arg17 : memref<80x128xf32, #tpu.memory_space<vmem>>) target(%arg20 : memref<80x128xf32, #tpu.memory_space<vmem_shared>>) target_semaphore(%run_scoped3A : memref<!tpu.dma_semaphore, #tpu.memory_space<semaphore_mem>>)
        tpu.wait_dma2 semaphore(%run_scoped3A : memref<!tpu.dma_semaphore, #tpu.memory_space<semaphore_mem>>) src(%arg17 : memref<80x128xf32, #tpu.memory_space<vmem>>) dst(%arg20 : memref<80x128xf32, #tpu.memory_space<vmem_shared>>)
        tpu.yield
      }) : () -> ()
    } else {
    }
    "tpu.region"() ({
      %run_scoped3A = tpu.sem_alloc : memref<!tpu.dma_semaphore, #tpu.memory_space<semaphore_mem>>
      %dma_start3A = arith.constant 0 : i32
      %dma_start3A_86 = arith.constant 0 : i32
      %dma_start3A_87 = tpu.memref_slice %arg5[%arg1, %dma_start3A, %dma_start3A_86] : memref<16x250x80xi32, #tpu.memory_space<hbm>> -> memref<1x250x80xi32, #tpu.memory_space<hbm>>
      %dma_start3A_88 = tpu.memref_squeeze %dma_start3A_87 : memref<1x250x80xi32, #tpu.memory_space<hbm>> -> memref<250x80xi32, #tpu.memory_space<hbm>>
      %dma_start3A_89 = arith.constant 0 : i32
      %dma_start3A_90 = arith.constant 0 : i32
      %dma_start3A_91 = tpu.memref_slice %arg5[%arg1, %dma_start3A_89, %dma_start3A_90] : memref<16x250x80xi32, #tpu.memory_space<hbm>> -> memref<1x250x80xi32, #tpu.memory_space<hbm>>
      %dma_start3A_92 = tpu.memref_squeeze %dma_start3A_91 : memref<1x250x80xi32, #tpu.memory_space<hbm>> -> memref<250x80xi32, #tpu.memory_space<hbm>>
      tpu.enqueue_dma source(%dma_start3A_92 : memref<250x80xi32, #tpu.memory_space<hbm>>) target(%arg9 : memref<250x80xi32, #tpu.memory_space<vmem>>) target_semaphore(%run_scoped3A : memref<!tpu.dma_semaphore, #tpu.memory_space<semaphore_mem>>)
      %dma_wait3A = arith.constant 0 : i32
      %dma_wait3A_93 = arith.constant 0 : i32
      %dma_wait3A_94 = tpu.memref_slice %arg5[%arg1, %dma_wait3A, %dma_wait3A_93] : memref<16x250x80xi32, #tpu.memory_space<hbm>> -> memref<1x250x80xi32, #tpu.memory_space<hbm>>
      %dma_wait3A_95 = tpu.memref_squeeze %dma_wait3A_94 : memref<1x250x80xi32, #tpu.memory_space<hbm>> -> memref<250x80xi32, #tpu.memory_space<hbm>>
      %dma_wait3A_96 = arith.constant 0 : i32
      %dma_wait3A_97 = arith.constant 0 : i32
      %dma_wait3A_98 = tpu.memref_slice %arg5[%arg1, %dma_wait3A_96, %dma_wait3A_97] : memref<16x250x80xi32, #tpu.memory_space<hbm>> -> memref<1x250x80xi32, #tpu.memory_space<hbm>>
      %dma_wait3A_99 = tpu.memref_squeeze %dma_wait3A_98 : memref<1x250x80xi32, #tpu.memory_space<hbm>> -> memref<250x80xi32, #tpu.memory_space<hbm>>
      tpu.wait_dma2 semaphore(%run_scoped3A : memref<!tpu.dma_semaphore, #tpu.memory_space<semaphore_mem>>) src(%dma_wait3A_99 : memref<250x80xi32, #tpu.memory_space<hbm>>) dst(%arg9 : memref<250x80xi32, #tpu.memory_space<vmem>>)
      tpu.yield
    }) : () -> ()
    "tpu.region"() ({
      %run_scoped3A = tpu.sem_alloc : memref<!tpu.dma_semaphore, #tpu.memory_space<semaphore_mem>>
      %dma_start3A = arith.constant 0 : i32
      %dma_start3A_86 = arith.constant 0 : i32
      %dma_start3A_87 = tpu.memref_slice %arg6[%arg1, %dma_start3A, %dma_start3A_86] : memref<16x250x80xi32, #tpu.memory_space<hbm>> -> memref<1x250x80xi32, #tpu.memory_space<hbm>>
      %dma_start3A_88 = tpu.memref_squeeze %dma_start3A_87 : memref<1x250x80xi32, #tpu.memory_space<hbm>> -> memref<250x80xi32, #tpu.memory_space<hbm>>
      %dma_start3A_89 = arith.constant 0 : i32
      %dma_start3A_90 = arith.constant 0 : i32
      %dma_start3A_91 = tpu.memref_slice %arg6[%arg1, %dma_start3A_89, %dma_start3A_90] : memref<16x250x80xi32, #tpu.memory_space<hbm>> -> memref<1x250x80xi32, #tpu.memory_space<hbm>>
      %dma_start3A_92 = tpu.memref_squeeze %dma_start3A_91 : memref<1x250x80xi32, #tpu.memory_space<hbm>> -> memref<250x80xi32, #tpu.memory_space<hbm>>
      tpu.enqueue_dma source(%dma_start3A_92 : memref<250x80xi32, #tpu.memory_space<hbm>>) target(%arg10 : memref<250x80xi32, #tpu.memory_space<vmem>>) target_semaphore(%run_scoped3A : memref<!tpu.dma_semaphore, #tpu.memory_space<semaphore_mem>>)
      %dma_wait3A = arith.constant 0 : i32
      %dma_wait3A_93 = arith.constant 0 : i32
      %dma_wait3A_94 = tpu.memref_slice %arg6[%arg1, %dma_wait3A, %dma_wait3A_93] : memref<16x250x80xi32, #tpu.memory_space<hbm>> -> memref<1x250x80xi32, #tpu.memory_space<hbm>>
      %dma_wait3A_95 = tpu.memref_squeeze %dma_wait3A_94 : memref<1x250x80xi32, #tpu.memory_space<hbm>> -> memref<250x80xi32, #tpu.memory_space<hbm>>
      %dma_wait3A_96 = arith.constant 0 : i32
      %dma_wait3A_97 = arith.constant 0 : i32
      %dma_wait3A_98 = tpu.memref_slice %arg6[%arg1, %dma_wait3A_96, %dma_wait3A_97] : memref<16x250x80xi32, #tpu.memory_space<hbm>> -> memref<1x250x80xi32, #tpu.memory_space<hbm>>
      %dma_wait3A_99 = tpu.memref_squeeze %dma_wait3A_98 : memref<1x250x80xi32, #tpu.memory_space<hbm>> -> memref<250x80xi32, #tpu.memory_space<hbm>>
      tpu.wait_dma2 semaphore(%run_scoped3A : memref<!tpu.dma_semaphore, #tpu.memory_space<semaphore_mem>>) src(%dma_wait3A_99 : memref<250x80xi32, #tpu.memory_space<hbm>>) dst(%arg10 : memref<250x80xi32, #tpu.memory_space<vmem>>)
      tpu.yield
    }) : () -> ()
    "tpu.region"() ({
      %run_scoped3A = tpu.sem_alloc : memref<!tpu.dma_semaphore, #tpu.memory_space<semaphore_mem>>
      tpu.enqueue_dma source(%arg3 : memref<10000xf32, #tpu.memory_space<hbm>>) target(%arg11 : memref<10000xf32, #tpu.memory_space<vmem>>) target_semaphore(%run_scoped3A : memref<!tpu.dma_semaphore, #tpu.memory_space<semaphore_mem>>)
      tpu.wait_dma2 semaphore(%run_scoped3A : memref<!tpu.dma_semaphore, #tpu.memory_space<semaphore_mem>>) src(%arg3 : memref<10000xf32, #tpu.memory_space<hbm>>) dst(%arg11 : memref<10000xf32, #tpu.memory_space<vmem>>)
      tpu.yield
    }) : () -> ()
    "tpu.region"() ({
      %run_scoped3A = tpu.sem_alloc : memref<!tpu.dma_semaphore, #tpu.memory_space<semaphore_mem>>
      tpu.enqueue_dma source(%arg4 : memref<10000xf32, #tpu.memory_space<hbm>>) target(%arg12 : memref<10000xf32, #tpu.memory_space<vmem>>) target_semaphore(%run_scoped3A : memref<!tpu.dma_semaphore, #tpu.memory_space<semaphore_mem>>)
      tpu.wait_dma2 semaphore(%run_scoped3A : memref<!tpu.dma_semaphore, #tpu.memory_space<semaphore_mem>>) src(%arg4 : memref<10000xf32, #tpu.memory_space<hbm>>) dst(%arg12 : memref<10000xf32, #tpu.memory_space<vmem>>)
      tpu.yield
    }) : () -> ()
    %barrier3A = arith.constant 0 : index
    tpu.barrier barrier_id(%barrier3A)
    %scan3A_70 = arith.constant 0 : i32
    %scan3A_71 = arith.constant 0 : i32
    %scan3A_72 = arith.constant 250 : i32
    %scan3A_73 = arith.addi %scan3A_71, %scan3A_72 : i32
    %scan3A_74 = arith.constant 1 : i32
    %scan3A_75 = scf.for %scan3A_86 = %scan3A_71 to %scan3A_73 step %scan3A_74 iter_args(%scan3A_87 = %scan3A_70) -> (i32)  : i32 {
      %dma_start3A = arith.constant 0 : i32
      %dma_start3A_88 = tpu.memref_slice %arg9[%scan3A_86, %dma_start3A] : memref<250x80xi32, #tpu.memory_space<vmem>> -> memref<1x80xi32, #tpu.memory_space<vmem>>
      %dma_start3A_89 = tpu.memref_squeeze %dma_start3A_88 : memref<1x80xi32, #tpu.memory_space<vmem>> -> memref<80xi32, #tpu.memory_space<vmem>>
      %dma_start3A_90 = arith.constant 0 : i32
      %dma_start3A_91 = arith.constant 0 : i32
      %dma_start3A_92 = tpu.memref_slice %arg2[%arg0, %dma_start3A_90, %dma_start3A_91] : memref<2x10000x64xf32, #tpu.memory_space<hbm>> -> memref<1x10000x64xf32, #tpu.memory_space<hbm>>
      %dma_start3A_93 = tpu.memref_squeeze %dma_start3A_92 : memref<1x10000x64xf32, #tpu.memory_space<hbm>> -> memref<10000x64xf32, #tpu.memory_space<hbm>>
      %dma_start3A_94 = arith.constant 0 : i32
      %dma_start3A_95 = arith.constant 0 : i32
      %dma_start3A_96 = tpu.memref_slice %dma_start3A_93[%dma_start3A_94, %dma_start3A_95] : memref<10000x64xf32, #tpu.memory_space<hbm>> -> memref<10000x64xf32, #tpu.memory_space<hbm>>
      tpu.enqueue_indirect_dma source(%dma_start3A_96 : memref<10000x64xf32, #tpu.memory_space<hbm>>) target(%arg14 : memref<80x64xf32, #tpu.memory_space<vmem>>) offsets(%dma_start3A_89 : memref<80xi32, #tpu.memory_space<vmem>>) semaphore(%arg21 : memref<!tpu.dma_semaphore, #tpu.memory_space<semaphore_mem>>)
      %get3A = arith.index_cast %scan3A_86 : i32 to index
      %get3A_97 = arith.constant 0 : index
      %get3A_98 = tpu.vector_load %arg9[%get3A, %get3A_97] {strides = array<i32>} : memref<250x80xi32, #tpu.memory_space<vmem>>, vector<16xi32>,
      %get3A_99 = arith.index_cast %scan3A_86 : i32 to index
      %get3A_100 = arith.constant 0 : index
      %get3A_101 = tpu.vector_load %arg10[%get3A_99, %get3A_100] {strides = array<i32>} : memref<250x80xi32, #tpu.memory_space<vmem>>, vector<16xi32>,
      %gather3A = tpu.vector_load_idx %arg11[%get3A_98] : memref<10000xf32, #tpu.memory_space<vmem>>[vector<16xi32>], vector<16xf32>,
      %gather3A_102 = tpu.vector_load_idx %arg12[%get3A_101] : memref<10000xf32, #tpu.memory_space<vmem>>[vector<16xi32>], vector<16xf32>,
      %add3A_103 = arith.addf %gather3A, %gather3A_102 : vector<16xf32>
      %gt3A = arith.constant 0.000000e+00 : f32
      %gt3A_104 = vector.broadcast %gt3A : f32 to vector<16xf32>
      %gt3A_105 = arith.cmpf ogt, %add3A_103, %gt3A_104 : vector<16xf32>
      %mul3A_106 = arith.constant 2.000000e-01 : f32
      %mul3A_107 = vector.broadcast %mul3A_106 : f32 to vector<16xf32>
      %mul3A_108 = arith.mulf %mul3A_107, %add3A_103 : vector<16xf32>
      %select_n3A = arith.select %gt3A_105, %add3A_103, %mul3A_108 : vector<16xi1>, vector<16xf32>
      %exp3A = math.exp %select_n3A : vector<16xf32>
      %swap3A_109 = arith.constant 0 : index
      %swap3A_110 = tpu.vector_load %arg13[%swap3A_109] {strides = array<i32>} : memref<80xf32, #tpu.memory_space<vmem>>, vector<16xf32>,
      tpu.vector_store %arg13[%swap3A_109], %exp3A {strides = array<i32>} : memref<80xf32, #tpu.memory_space<vmem>>, vector<16xf32>,
      %shift_right_logical3A = arith.constant 7 : i32
      %shift_right_logical3A_111 = vector.broadcast %shift_right_logical3A : i32 to vector<16xi32>
      %shift_right_logical3A_112 = arith.shrui %get3A_101, %shift_right_logical3A_111 : vector<16xi32>
      %and3A = arith.constant 127 : i32
      %and3A_113 = vector.broadcast %and3A : i32 to vector<16xi32>
      %and3A_114 = arith.andi %get3A_101, %and3A_113 : vector<16xi32>
      tpu.vector_store_idx %arg17[%shift_right_logical3A_112, %and3A_114], %exp3A {add = true} : memref<80x128xf32, #tpu.memory_space<vmem>>[vector<16xi32>, vector<16xi32>], vector<16xf32>,
      %get3A_115 = arith.index_cast %scan3A_86 : i32 to index
      %get3A_116 = arith.constant 16 : index
      %get3A_117 = tpu.vector_load %arg9[%get3A_115, %get3A_116] {strides = array<i32>} : memref<250x80xi32, #tpu.memory_space<vmem>>, vector<16xi32>,
      %get3A_118 = arith.index_cast %scan3A_86 : i32 to index
      %get3A_119 = arith.constant 16 : index
      %get3A_120 = tpu.vector_load %arg10[%get3A_118, %get3A_119] {strides = array<i32>} : memref<250x80xi32, #tpu.memory_space<vmem>>, vector<16xi32>,
      %gather3A_121 = tpu.vector_load_idx %arg11[%get3A_117] : memref<10000xf32, #tpu.memory_space<vmem>>[vector<16xi32>], vector<16xf32>,
      %gather3A_122 = tpu.vector_load_idx %arg12[%get3A_120] : memref<10000xf32, #tpu.memory_space<vmem>>[vector<16xi32>], vector<16xf32>,
      %add3A_123 = arith.addf %gather3A_121, %gather3A_122 : vector<16xf32>
      %gt3A_124 = arith.constant 0.000000e+00 : f32
      %gt3A_125 = vector.broadcast %gt3A_124 : f32 to vector<16xf32>
      %gt3A_126 = arith.cmpf ogt, %add3A_123, %gt3A_125 : vector<16xf32>
      %mul3A_127 = arith.constant 2.000000e-01 : f32
      %mul3A_128 = vector.broadcast %mul3A_127 : f32 to vector<16xf32>
      %mul3A_129 = arith.mulf %mul3A_128, %add3A_123 : vector<16xf32>
      %select_n3A_130 = arith.select %gt3A_126, %add3A_123, %mul3A_129 : vector<16xi1>, vector<16xf32>
      %exp3A_131 = math.exp %select_n3A_130 : vector<16xf32>
      %swap3A_132 = arith.constant 16 : index
      %swap3A_133 = tpu.vector_load %arg13[%swap3A_132] {strides = array<i32>} : memref<80xf32, #tpu.memory_space<vmem>>, vector<16xf32>,
      tpu.vector_store %arg13[%swap3A_132], %exp3A_131 {strides = array<i32>} : memref<80xf32, #tpu.memory_space<vmem>>, vector<16xf32>,
      %shift_right_logical3A_134 = arith.constant 7 : i32
      %shift_right_logical3A_135 = vector.broadcast %shift_right_logical3A_134 : i32 to vector<16xi32>
      %shift_right_logical3A_136 = arith.shrui %get3A_120, %shift_right_logical3A_135 : vector<16xi32>
      %and3A_137 = arith.constant 127 : i32
      %and3A_138 = vector.broadcast %and3A_137 : i32 to vector<16xi32>
      %and3A_139 = arith.andi %get3A_120, %and3A_138 : vector<16xi32>
      tpu.vector_store_idx %arg17[%shift_right_logical3A_136, %and3A_139], %exp3A_131 {add = true} : memref<80x128xf32, #tpu.memory_space<vmem>>[vector<16xi32>, vector<16xi32>], vector<16xf32>,
      %get3A_140 = arith.index_cast %scan3A_86 : i32 to index
      %get3A_141 = arith.constant 32 : index
      %get3A_142 = tpu.vector_load %arg9[%get3A_140, %get3A_141] {strides = array<i32>} : memref<250x80xi32, #tpu.memory_space<vmem>>, vector<16xi32>,
      %get3A_143 = arith.index_cast %scan3A_86 : i32 to index
      %get3A_144 = arith.constant 32 : index
      %get3A_145 = tpu.vector_load %arg10[%get3A_143, %get3A_144] {strides = array<i32>} : memref<250x80xi32, #tpu.memory_space<vmem>>, vector<16xi32>,
      %gather3A_146 = tpu.vector_load_idx %arg11[%get3A_142] : memref<10000xf32, #tpu.memory_space<vmem>>[vector<16xi32>], vector<16xf32>,
      %gather3A_147 = tpu.vector_load_idx %arg12[%get3A_145] : memref<10000xf32, #tpu.memory_space<vmem>>[vector<16xi32>], vector<16xf32>,
      %add3A_148 = arith.addf %gather3A_146, %gather3A_147 : vector<16xf32>
      %gt3A_149 = arith.constant 0.000000e+00 : f32
      %gt3A_150 = vector.broadcast %gt3A_149 : f32 to vector<16xf32>
      %gt3A_151 = arith.cmpf ogt, %add3A_148, %gt3A_150 : vector<16xf32>
      %mul3A_152 = arith.constant 2.000000e-01 : f32
      %mul3A_153 = vector.broadcast %mul3A_152 : f32 to vector<16xf32>
      %mul3A_154 = arith.mulf %mul3A_153, %add3A_148 : vector<16xf32>
      %select_n3A_155 = arith.select %gt3A_151, %add3A_148, %mul3A_154 : vector<16xi1>, vector<16xf32>
      %exp3A_156 = math.exp %select_n3A_155 : vector<16xf32>
      %swap3A_157 = arith.constant 32 : index
      %swap3A_158 = tpu.vector_load %arg13[%swap3A_157] {strides = array<i32>} : memref<80xf32, #tpu.memory_space<vmem>>, vector<16xf32>,
      tpu.vector_store %arg13[%swap3A_157], %exp3A_156 {strides = array<i32>} : memref<80xf32, #tpu.memory_space<vmem>>, vector<16xf32>,
      %shift_right_logical3A_159 = arith.constant 7 : i32
      %shift_right_logical3A_160 = vector.broadcast %shift_right_logical3A_159 : i32 to vector<16xi32>
      %shift_right_logical3A_161 = arith.shrui %get3A_145, %shift_right_logical3A_160 : vector<16xi32>
      %and3A_162 = arith.constant 127 : i32
      %and3A_163 = vector.broadcast %and3A_162 : i32 to vector<16xi32>
      %and3A_164 = arith.andi %get3A_145, %and3A_163 : vector<16xi32>
      tpu.vector_store_idx %arg17[%shift_right_logical3A_161, %and3A_164], %exp3A_156 {add = true} : memref<80x128xf32, #tpu.memory_space<vmem>>[vector<16xi32>, vector<16xi32>], vector<16xf32>,
      %get3A_165 = arith.index_cast %scan3A_86 : i32 to index
      %get3A_166 = arith.constant 48 : index
      %get3A_167 = tpu.vector_load %arg9[%get3A_165, %get3A_166] {strides = array<i32>} : memref<250x80xi32, #tpu.memory_space<vmem>>, vector<16xi32>,
      %get3A_168 = arith.index_cast %scan3A_86 : i32 to index
      %get3A_169 = arith.constant 48 : index
      %get3A_170 = tpu.vector_load %arg10[%get3A_168, %get3A_169] {strides = array<i32>} : memref<250x80xi32, #tpu.memory_space<vmem>>, vector<16xi32>,
      %gather3A_171 = tpu.vector_load_idx %arg11[%get3A_167] : memref<10000xf32, #tpu.memory_space<vmem>>[vector<16xi32>], vector<16xf32>,
      %gather3A_172 = tpu.vector_load_idx %arg12[%get3A_170] : memref<10000xf32, #tpu.memory_space<vmem>>[vector<16xi32>], vector<16xf32>,
      %add3A_173 = arith.addf %gather3A_171, %gather3A_172 : vector<16xf32>
      %gt3A_174 = arith.constant 0.000000e+00 : f32
      %gt3A_175 = vector.broadcast %gt3A_174 : f32 to vector<16xf32>
      %gt3A_176 = arith.cmpf ogt, %add3A_173, %gt3A_175 : vector<16xf32>
      %mul3A_177 = arith.constant 2.000000e-01 : f32
      %mul3A_178 = vector.broadcast %mul3A_177 : f32 to vector<16xf32>
      %mul3A_179 = arith.mulf %mul3A_178, %add3A_173 : vector<16xf32>
      %select_n3A_180 = arith.select %gt3A_176, %add3A_173, %mul3A_179 : vector<16xi1>, vector<16xf32>
      %exp3A_181 = math.exp %select_n3A_180 : vector<16xf32>
      %swap3A_182 = arith.constant 48 : index
      %swap3A_183 = tpu.vector_load %arg13[%swap3A_182] {strides = array<i32>} : memref<80xf32, #tpu.memory_space<vmem>>, vector<16xf32>,
      tpu.vector_store %arg13[%swap3A_182], %exp3A_181 {strides = array<i32>} : memref<80xf32, #tpu.memory_space<vmem>>, vector<16xf32>,
      %shift_right_logical3A_184 = arith.constant 7 : i32
      %shift_right_logical3A_185 = vector.broadcast %shift_right_logical3A_184 : i32 to vector<16xi32>
      %shift_right_logical3A_186 = arith.shrui %get3A_170, %shift_right_logical3A_185 : vector<16xi32>
      %and3A_187 = arith.constant 127 : i32
      %and3A_188 = vector.broadcast %and3A_187 : i32 to vector<16xi32>
      %and3A_189 = arith.andi %get3A_170, %and3A_188 : vector<16xi32>
      tpu.vector_store_idx %arg17[%shift_right_logical3A_186, %and3A_189], %exp3A_181 {add = true} : memref<80x128xf32, #tpu.memory_space<vmem>>[vector<16xi32>, vector<16xi32>], vector<16xf32>,
      %get3A_190 = arith.index_cast %scan3A_86 : i32 to index
      %get3A_191 = arith.constant 64 : index
      %get3A_192 = tpu.vector_load %arg9[%get3A_190, %get3A_191] {strides = array<i32>} : memref<250x80xi32, #tpu.memory_space<vmem>>, vector<16xi32>,
      %get3A_193 = arith.index_cast %scan3A_86 : i32 to index
      %get3A_194 = arith.constant 64 : index
      %get3A_195 = tpu.vector_load %arg10[%get3A_193, %get3A_194] {strides = array<i32>} : memref<250x80xi32, #tpu.memory_space<vmem>>, vector<16xi32>,
      %gather3A_196 = tpu.vector_load_idx %arg11[%get3A_192] : memref<10000xf32, #tpu.memory_space<vmem>>[vector<16xi32>], vector<16xf32>,
      %gather3A_197 = tpu.vector_load_idx %arg12[%get3A_195] : memref<10000xf32, #tpu.memory_space<vmem>>[vector<16xi32>], vector<16xf32>,
      %add3A_198 = arith.addf %gather3A_196, %gather3A_197 : vector<16xf32>
      %gt3A_199 = arith.constant 0.000000e+00 : f32
      %gt3A_200 = vector.broadcast %gt3A_199 : f32 to vector<16xf32>
      %gt3A_201 = arith.cmpf ogt, %add3A_198, %gt3A_200 : vector<16xf32>
      %mul3A_202 = arith.constant 2.000000e-01 : f32
      %mul3A_203 = vector.broadcast %mul3A_202 : f32 to vector<16xf32>
      %mul3A_204 = arith.mulf %mul3A_203, %add3A_198 : vector<16xf32>
      %select_n3A_205 = arith.select %gt3A_201, %add3A_198, %mul3A_204 : vector<16xi1>, vector<16xf32>
      %exp3A_206 = math.exp %select_n3A_205 : vector<16xf32>
      %swap3A_207 = arith.constant 64 : index
      %swap3A_208 = tpu.vector_load %arg13[%swap3A_207] {strides = array<i32>} : memref<80xf32, #tpu.memory_space<vmem>>, vector<16xf32>,
      tpu.vector_store %arg13[%swap3A_207], %exp3A_206 {strides = array<i32>} : memref<80xf32, #tpu.memory_space<vmem>>, vector<16xf32>,
      %shift_right_logical3A_209 = arith.constant 7 : i32
      %shift_right_logical3A_210 = vector.broadcast %shift_right_logical3A_209 : i32 to vector<16xi32>
      %shift_right_logical3A_211 = arith.shrui %get3A_195, %shift_right_logical3A_210 : vector<16xi32>
      %and3A_212 = arith.constant 127 : i32
      %and3A_213 = vector.broadcast %and3A_212 : i32 to vector<16xi32>
      %and3A_214 = arith.andi %get3A_195, %and3A_213 : vector<16xi32>
      tpu.vector_store_idx %arg17[%shift_right_logical3A_211, %and3A_214], %exp3A_206 {add = true} : memref<80x128xf32, #tpu.memory_space<vmem>>[vector<16xi32>, vector<16xi32>], vector<16xf32>,
      %dma_wait3A = arith.constant 0 : i32
      %dma_wait3A_215 = tpu.memref_slice %arg9[%scan3A_86, %dma_wait3A] : memref<250x80xi32, #tpu.memory_space<vmem>> -> memref<1x80xi32, #tpu.memory_space<vmem>>
      %dma_wait3A_216 = tpu.memref_squeeze %dma_wait3A_215 : memref<1x80xi32, #tpu.memory_space<vmem>> -> memref<80xi32, #tpu.memory_space<vmem>>
      %dma_wait3A_217 = arith.constant 0 : i32
      %dma_wait3A_218 = arith.constant 0 : i32
      %dma_wait3A_219 = tpu.memref_slice %arg2[%arg0, %dma_wait3A_217, %dma_wait3A_218] : memref<2x10000x64xf32, #tpu.memory_space<hbm>> -> memref<1x10000x64xf32, #tpu.memory_space<hbm>>
      %dma_wait3A_220 = tpu.memref_squeeze %dma_wait3A_219 : memref<1x10000x64xf32, #tpu.memory_space<hbm>> -> memref<10000x64xf32, #tpu.memory_space<hbm>>
      %dma_wait3A_221 = arith.constant 0 : i32
      %dma_wait3A_222 = arith.constant 0 : i32
      %dma_wait3A_223 = tpu.memref_slice %dma_wait3A_220[%dma_wait3A_221, %dma_wait3A_222] : memref<10000x64xf32, #tpu.memory_space<hbm>> -> memref<10000x64xf32, #tpu.memory_space<hbm>>
      tpu.wait_indirect_dma semaphore(%arg21 : memref<!tpu.dma_semaphore, #tpu.memory_space<semaphore_mem>>) src(%dma_wait3A_223 : memref<10000x64xf32, #tpu.memory_space<hbm>>) dst(%arg14 : memref<80x64xf32, #tpu.memory_space<vmem>>)
      %scan3A_224 = arith.constant 0 : i32
      %scan3A_225 = arith.constant 0 : i32
      %scan3A_226 = arith.constant 80 : i32
      %scan3A_227 = arith.addi %scan3A_225, %scan3A_226 : i32
      %scan3A_228 = arith.constant 1 : i32
      %scan3A_229 = scf.for %scan3A_232 = %scan3A_225 to %scan3A_227 step %scan3A_228 iter_args(%scan3A_233 = %scan3A_224) -> (i32)  : i32 {
        %broadcast_in_dim3A_234 = vector.broadcast %scan3A_232 : i32 to vector<16xi32>
        %gather3A_235 = tpu.vector_load_idx %arg13[%broadcast_in_dim3A_234] : memref<80xf32, #tpu.memory_space<vmem>>[vector<16xi32>], vector<16xf32>,
        %get3A_236 = arith.index_cast %scan3A_232 : i32 to index
        %get3A_237 = arith.constant 0 : index
        %get3A_238 = tpu.vector_load %arg14[%get3A_236, %get3A_237] {strides = array<i32>} : memref<80x64xf32, #tpu.memory_space<vmem>>, vector<16xf32>,
        %mul3A_239 = arith.mulf %get3A_238, %gather3A_235 : vector<16xf32>
        %swap3A_240 = arith.index_cast %scan3A_232 : i32 to index
        %swap3A_241 = arith.constant 0 : index
        %swap3A_242 = tpu.vector_load %arg15[%swap3A_240, %swap3A_241] {strides = array<i32>} : memref<80x64xf32, #tpu.memory_space<vmem>>, vector<16xf32>,
        tpu.vector_store %arg15[%swap3A_240, %swap3A_241], %mul3A_239 {strides = array<i32>} : memref<80x64xf32, #tpu.memory_space<vmem>>, vector<16xf32>,
        %get3A_243 = arith.index_cast %scan3A_232 : i32 to index
        %get3A_244 = arith.constant 16 : index
        %get3A_245 = tpu.vector_load %arg14[%get3A_243, %get3A_244] {strides = array<i32>} : memref<80x64xf32, #tpu.memory_space<vmem>>, vector<16xf32>,
        %mul3A_246 = arith.mulf %get3A_245, %gather3A_235 : vector<16xf32>
        %swap3A_247 = arith.index_cast %scan3A_232 : i32 to index
        %swap3A_248 = arith.constant 16 : index
        %swap3A_249 = tpu.vector_load %arg15[%swap3A_247, %swap3A_248] {strides = array<i32>} : memref<80x64xf32, #tpu.memory_space<vmem>>, vector<16xf32>,
        tpu.vector_store %arg15[%swap3A_247, %swap3A_248], %mul3A_246 {strides = array<i32>} : memref<80x64xf32, #tpu.memory_space<vmem>>, vector<16xf32>,
        %get3A_250 = arith.index_cast %scan3A_232 : i32 to index
        %get3A_251 = arith.constant 32 : index
        %get3A_252 = tpu.vector_load %arg14[%get3A_250, %get3A_251] {strides = array<i32>} : memref<80x64xf32, #tpu.memory_space<vmem>>, vector<16xf32>,
        %mul3A_253 = arith.mulf %get3A_252, %gather3A_235 : vector<16xf32>
        %swap3A_254 = arith.index_cast %scan3A_232 : i32 to index
        %swap3A_255 = arith.constant 32 : index
        %swap3A_256 = tpu.vector_load %arg15[%swap3A_254, %swap3A_255] {strides = array<i32>} : memref<80x64xf32, #tpu.memory_space<vmem>>, vector<16xf32>,
        tpu.vector_store %arg15[%swap3A_254, %swap3A_255], %mul3A_253 {strides = array<i32>} : memref<80x64xf32, #tpu.memory_space<vmem>>, vector<16xf32>,
        %get3A_257 = arith.index_cast %scan3A_232 : i32 to index
        %get3A_258 = arith.constant 48 : index
        %get3A_259 = tpu.vector_load %arg14[%get3A_257, %get3A_258] {strides = array<i32>} : memref<80x64xf32, #tpu.memory_space<vmem>>, vector<16xf32>,
        %mul3A_260 = arith.mulf %get3A_259, %gather3A_235 : vector<16xf32>
        %swap3A_261 = arith.index_cast %scan3A_232 : i32 to index
        %swap3A_262 = arith.constant 48 : index
        %swap3A_263 = tpu.vector_load %arg15[%swap3A_261, %swap3A_262] {strides = array<i32>} : memref<80x64xf32, #tpu.memory_space<vmem>>, vector<16xf32>,
        tpu.vector_store %arg15[%swap3A_261, %swap3A_262], %mul3A_260 {strides = array<i32>} : memref<80x64xf32, #tpu.memory_space<vmem>>, vector<16xf32>,
        %scan3A_264 = arith.constant 0 : i32
        scf.yield %scan3A_264 : i32
      }
      %scan3A_230 = arith.constant 80 : i32
      "tpu.region"() ({
        %run_scoped3A = tpu.sem_alloc : memref<!tpu.dma_semaphore, #tpu.memory_space<semaphore_mem>>
        %dma_start3A_232 = arith.constant 0 : i32
        %dma_start3A_233 = tpu.memref_slice %arg10[%scan3A_86, %dma_start3A_232] : memref<250x80xi32, #tpu.memory_space<vmem>> -> memref<1x80xi32, #tpu.memory_space<vmem>>
        %dma_start3A_234 = tpu.memref_squeeze %dma_start3A_233 : memref<1x80xi32, #tpu.memory_space<vmem>> -> memref<80xi32, #tpu.memory_space<vmem>>
        %dma_start3A_235 = arith.constant 0 : i32
        %dma_start3A_236 = arith.constant 0 : i32
        %dma_start3A_237 = tpu.memref_slice %arg19[%dma_start3A_235, %dma_start3A_236] : memref<10240x64xf32, #tpu.memory_space<vmem_shared>> -> memref<10240x64xf32, #tpu.memory_space<vmem_shared>>
        tpu.enqueue_indirect_dma source(%arg15 : memref<80x64xf32, #tpu.memory_space<vmem>>) target(%dma_start3A_237 : memref<10240x64xf32, #tpu.memory_space<vmem_shared>>) offsets(%dma_start3A_234 : memref<80xi32, #tpu.memory_space<vmem>>) semaphore(%run_scoped3A : memref<!tpu.dma_semaphore, #tpu.memory_space<semaphore_mem>>) {add = true}
        %dma_wait3A_238 = arith.constant 0 : i32
        %dma_wait3A_239 = tpu.memref_slice %arg10[%scan3A_86, %dma_wait3A_238] : memref<250x80xi32, #tpu.memory_space<vmem>> -> memref<1x80xi32, #tpu.memory_space<vmem>>
        %dma_wait3A_240 = tpu.memref_squeeze %dma_wait3A_239 : memref<1x80xi32, #tpu.memory_space<vmem>> -> memref<80xi32, #tpu.memory_space<vmem>>
        %dma_wait3A_241 = arith.constant 0 : i32
        %dma_wait3A_242 = arith.constant 0 : i32
        %dma_wait3A_243 = tpu.memref_slice %arg19[%dma_wait3A_241, %dma_wait3A_242] : memref<10240x64xf32, #tpu.memory_space<vmem_shared>> -> memref<10240x64xf32, #tpu.memory_space<vmem_shared>>
        tpu.wait_indirect_dma semaphore(%run_scoped3A : memref<!tpu.dma_semaphore, #tpu.memory_space<semaphore_mem>>) src(%arg15 : memref<80x64xf32, #tpu.memory_space<vmem>>) dst(%dma_wait3A_243 : memref<10240x64xf32, #tpu.memory_space<vmem_shared>>)
        tpu.yield
      }) : () -> ()
      %scan3A_231 = arith.constant 0 : i32
      scf.yield %scan3A_231 : i32
    }
    %scan3A_76 = arith.constant 250 : i32
    "tpu.region"() ({
      %run_scoped3A = tpu.sem_alloc : memref<!tpu.dma_semaphore, #tpu.memory_space<semaphore_mem>>
      %dma_start3A = arith.constant 0 : i32
      %dma_start3A_86 = arith.constant 0 : i32
      %dma_start3A_87 = tpu.memref_slice %arg20[%dma_start3A, %dma_start3A_86] : memref<80x128xf32, #tpu.memory_space<vmem_shared>> -> memref<80x128xf32, #tpu.memory_space<vmem_shared>>
      tpu.enqueue_indirect_dma source(%arg17 : memref<80x128xf32, #tpu.memory_space<vmem>>) target(%dma_start3A_87 : memref<80x128xf32, #tpu.memory_space<vmem_shared>>) offsets(%arg18 : memref<80xi32, #tpu.memory_space<vmem>>) semaphore(%run_scoped3A : memref<!tpu.dma_semaphore, #tpu.memory_space<semaphore_mem>>) {add = true}
      %dma_wait3A = arith.constant 0 : i32
      %dma_wait3A_88 = arith.constant 0 : i32
      %dma_wait3A_89 = tpu.memref_slice %arg20[%dma_wait3A, %dma_wait3A_88] : memref<80x128xf32, #tpu.memory_space<vmem_shared>> -> memref<80x128xf32, #tpu.memory_space<vmem_shared>>
      tpu.wait_indirect_dma semaphore(%run_scoped3A : memref<!tpu.dma_semaphore, #tpu.memory_space<semaphore_mem>>) src(%arg17 : memref<80x128xf32, #tpu.memory_space<vmem>>) dst(%dma_wait3A_89 : memref<80x128xf32, #tpu.memory_space<vmem_shared>>)
      tpu.yield
    }) : () -> ()
    %barrier3A_77 = arith.constant 0 : index
    tpu.barrier barrier_id(%barrier3A_77)
    %mul3A_78 = arith.constant 5 : i32
    %mul3A_79 = arith.muli %arg1, %mul3A_78 : i32
    %mul3A_80 = arith.constant 5 : i32
    %mul3A_81 = arith.muli %arg1, %mul3A_80 : i32
    "tpu.region"() ({
      %run_scoped3A = tpu.sem_alloc : memref<!tpu.dma_semaphore, #tpu.memory_space<semaphore_mem>>
      %dma_start3A = arith.constant 0 : i32
      %dma_start3A_86 = tpu.memref_slice %arg8[%arg0, %mul3A_81, %dma_start3A] : memref<2x80x128xf32, #tpu.memory_space<hbm>> -> memref<1x5x128xf32, #tpu.memory_space<hbm>>
      %dma_start3A_87 = tpu.memref_squeeze %dma_start3A_86 : memref<1x5x128xf32, #tpu.memory_space<hbm>> -> memref<5x128xf32, #tpu.memory_space<hbm>>
      %dma_start3A_88 = arith.constant 0 : i32
      %dma_start3A_89 = tpu.memref_slice %arg20[%mul3A_79, %dma_start3A_88] : memref<80x128xf32, #tpu.memory_space<vmem_shared>> -> memref<5x128xf32, #tpu.memory_space<vmem_shared>>
      tpu.enqueue_dma source(%dma_start3A_89 : memref<5x128xf32, #tpu.memory_space<vmem_shared>>) target(%dma_start3A_87 : memref<5x128xf32, #tpu.memory_space<hbm>>) target_semaphore(%run_scoped3A : memref<!tpu.dma_semaphore, #tpu.memory_space<semaphore_mem>>)
      %dma_wait3A = arith.constant 0 : i32
      %dma_wait3A_90 = tpu.memref_slice %arg8[%arg0, %mul3A_81, %dma_wait3A] : memref<2x80x128xf32, #tpu.memory_space<hbm>> -> memref<1x5x128xf32, #tpu.memory_space<hbm>>
      %dma_wait3A_91 = tpu.memref_squeeze %dma_wait3A_90 : memref<1x5x128xf32, #tpu.memory_space<hbm>> -> memref<5x128xf32, #tpu.memory_space<hbm>>
      %dma_wait3A_92 = arith.constant 0 : i32
      %dma_wait3A_93 = tpu.memref_slice %arg20[%mul3A_79, %dma_wait3A_92] : memref<80x128xf32, #tpu.memory_space<vmem_shared>> -> memref<5x128xf32, #tpu.memory_space<vmem_shared>>
      tpu.wait_dma2 semaphore(%run_scoped3A : memref<!tpu.dma_semaphore, #tpu.memory_space<semaphore_mem>>) src(%dma_wait3A_93 : memref<5x128xf32, #tpu.memory_space<vmem_shared>>) dst(%dma_wait3A_91 : memref<5x128xf32, #tpu.memory_space<hbm>>)
      tpu.yield
    }) : () -> ()
    %mul3A_82 = arith.constant 640 : i32
    %mul3A_83 = arith.muli %arg1, %mul3A_82 : i32
    %mul3A_84 = arith.constant 640 : i32
    %mul3A_85 = arith.muli %arg1, %mul3A_84 : i32
    "tpu.region"() ({
      %run_scoped3A = tpu.sem_alloc : memref<!tpu.dma_semaphore, #tpu.memory_space<semaphore_mem>>
      %dma_start3A = arith.constant 0 : i32
      %dma_start3A_86 = tpu.memref_slice %arg7[%arg0, %mul3A_85, %dma_start3A] : memref<2x10240x64xf32, #tpu.memory_space<hbm>> -> memref<1x640x64xf32, #tpu.memory_space<hbm>>
      %dma_start3A_87 = tpu.memref_squeeze %dma_start3A_86 : memref<1x640x64xf32, #tpu.memory_space<hbm>> -> memref<640x64xf32, #tpu.memory_space<hbm>>
      %dma_start3A_88 = arith.constant 0 : i32
      %dma_start3A_89 = tpu.memref_slice %arg19[%mul3A_83, %dma_start3A_88] : memref<10240x64xf32, #tpu.memory_space<vmem_shared>> -> memref<640x64xf32, #tpu.memory_space<vmem_shared>>
      tpu.enqueue_dma source(%dma_start3A_89 : memref<640x64xf32, #tpu.memory_space<vmem_shared>>) target(%dma_start3A_87 : memref<640x64xf32, #tpu.memory_space<hbm>>) target_semaphore(%run_scoped3A : memref<!tpu.dma_semaphore, #tpu.memory_space<semaphore_mem>>)
      %dma_wait3A = arith.constant 0 : i32
      %dma_wait3A_90 = tpu.memref_slice %arg7[%arg0, %mul3A_85, %dma_wait3A] : memref<2x10240x64xf32, #tpu.memory_space<hbm>> -> memref<1x640x64xf32, #tpu.memory_space<hbm>>
      %dma_wait3A_91 = tpu.memref_squeeze %dma_wait3A_90 : memref<1x640x64xf32, #tpu.memory_space<hbm>> -> memref<640x64xf32, #tpu.memory_space<hbm>>
      %dma_wait3A_92 = arith.constant 0 : i32
      %dma_wait3A_93 = tpu.memref_slice %arg19[%mul3A_83, %dma_wait3A_92] : memref<10240x64xf32, #tpu.memory_space<vmem_shared>> -> memref<640x64xf32, #tpu.memory_space<vmem_shared>>
      tpu.wait_dma2 semaphore(%run_scoped3A : memref<!tpu.dma_semaphore, #tpu.memory_space<semaphore_mem>>) src(%dma_wait3A_93 : memref<640x64xf32, #tpu.memory_space<vmem_shared>>) dst(%dma_wait3A_91 : memref<640x64xf32, #tpu.memory_space<hbm>>)
      tpu.yield
    }) : () -> ()
    return
  }
}

module attributes {stable_mosaic.version = 14 : i64} {
  func.func @_project_body(%arg0: i32, %arg1: memref<2000x128xf32, #tpu.memory_space<vmem>>, %arg2: memref<128x128xf32, #tpu.memory_space<vmem>>, %arg3: memref<128x2xf32, #tpu.memory_space<vmem>>, %arg4: memref<2x2000x64xf32, #tpu.memory_space<vmem>>, %arg5: memref<2000x2xf32, #tpu.memory_space<vmem>>) attributes {dimension_semantics = [#tpu.dimension_semantics<arbitrary>], iteration_bounds = array<i64: 5>, scalar_prefetch = 0 : i64, scratch_operands = 0 : i64, tpu.core_type = #tpu.core_type<tc>, window_params = [{transform_indices = @transform_0, window_bounds = array<i64: 2000, 128>}, {pipeline_mode = #tpu.pipeline_mode<synchronous>, transform_indices = @transform_1, window_bounds = array<i64: 128, 128>}, {pipeline_mode = #tpu.pipeline_mode<synchronous>, transform_indices = @transform_2, window_bounds = array<i64: 128, 2>}, {transform_indices = @transform_3, window_bounds = array<i64: 2, 2000, 64>}, {transform_indices = @transform_4, window_bounds = array<i64: 2000, 2>}]} {
    %get3A = arith.constant 0 : index
    %get3A_0 = arith.constant 0 : index
    %get3A_1 = vector.load %arg1[%get3A, %get3A_0] : memref<2000x128xf32, #tpu.memory_space<vmem>>, vector<2000x128xf32>
    %get3A_2 = arith.constant 0 : index
    %get3A_3 = arith.constant 0 : index
    %get3A_4 = vector.load %arg2[%get3A_2, %get3A_3] : memref<128x128xf32, #tpu.memory_space<vmem>>, vector<128x128xf32>
    %dot_general3A = arith.constant dense<0.000000e+00> : vector<2000x128xf32>
    %dot_general3A_5 = tpu.matmul %get3A_1, %get3A_4, %dot_general3A {dimension_numbers = #tpu.dot_dimension_numbers<[1], [0], [0], [1], [0, 0, 1, 1], [], []>, transpose_lhs_hint = false} : vector<2000x128xf32>, vector<128x128xf32>, vector<2000x128xf32> -> vector<2000x128xf32>
    %slice3A = vector.extract_strided_slice %dot_general3A_5 {offsets = [0, 0], sizes = [2000, 64], strides = [1, 1]} : vector<2000x128xf32> to vector<2000x64xf32>
    %swap3A = arith.constant 0 : index
    %swap3A_6 = arith.constant 0 : index
    %swap3A_7 = arith.constant 0 : index
    %swap3A_8 = vector.load %arg4[%swap3A, %swap3A_6, %swap3A_7] : memref<2x2000x64xf32, #tpu.memory_space<vmem>>, vector<1x2000x64xf32>
    %swap3A_9 = vector.shape_cast %swap3A_8 : vector<1x2000x64xf32> to vector<2000x64xf32>
    %swap3A_10 = vector.shape_cast %slice3A : vector<2000x64xf32> to vector<1x2000x64xf32>
    tpu.vector_store %arg4[%swap3A, %swap3A_6, %swap3A_7], %swap3A_10 {strides = array<i32>} : memref<2x2000x64xf32, #tpu.memory_space<vmem>>, vector<1x2000x64xf32>,
    %slice3A_11 = vector.extract_strided_slice %dot_general3A_5 {offsets = [0, 64], sizes = [2000, 64], strides = [1, 1]} : vector<2000x128xf32> to vector<2000x64xf32>
    %swap3A_12 = arith.constant 1 : index
    %swap3A_13 = arith.constant 0 : index
    %swap3A_14 = arith.constant 0 : index
    %swap3A_15 = vector.load %arg4[%swap3A_12, %swap3A_13, %swap3A_14] : memref<2x2000x64xf32, #tpu.memory_space<vmem>>, vector<1x2000x64xf32>
    %swap3A_16 = vector.shape_cast %swap3A_15 : vector<1x2000x64xf32> to vector<2000x64xf32>
    %swap3A_17 = vector.shape_cast %slice3A_11 : vector<2000x64xf32> to vector<1x2000x64xf32>
    tpu.vector_store %arg4[%swap3A_12, %swap3A_13, %swap3A_14], %swap3A_17 {strides = array<i32>} : memref<2x2000x64xf32, #tpu.memory_space<vmem>>, vector<1x2000x64xf32>,
    %get3A_18 = arith.constant 0 : index
    %get3A_19 = arith.constant 0 : index
    %get3A_20 = vector.load %arg3[%get3A_18, %get3A_19] : memref<128x2xf32, #tpu.memory_space<vmem>>, vector<128x2xf32>
    %dot_general3A_21 = arith.constant dense<0.000000e+00> : vector<2000x2xf32>
    %dot_general3A_22 = tpu.matmul %dot_general3A_5, %get3A_20, %dot_general3A_21 {dimension_numbers = #tpu.dot_dimension_numbers<[1], [0], [0], [1], [0, 0, 1, 1], [], []>, transpose_lhs_hint = false} : vector<2000x128xf32>, vector<128x2xf32>, vector<2000x2xf32> -> vector<2000x2xf32>
    %swap3A_23 = arith.constant 0 : index
    %swap3A_24 = arith.constant 0 : index
    %swap3A_25 = vector.load %arg5[%swap3A_23, %swap3A_24] : memref<2000x2xf32, #tpu.memory_space<vmem>>, vector<2000x2xf32>
    tpu.vector_store %arg5[%swap3A_23, %swap3A_24], %dot_general3A_22 {strides = array<i32>} : memref<2000x2xf32, #tpu.memory_space<vmem>>, vector<2000x2xf32>,
    return
  }
  func.func @transform_0(%arg0: i32) -> (i32, i32) {
    %c0_i32 = arith.constant 0 : i32
    %c0_i32_0 = arith.constant 0 : i32
    return %arg0, %c0_i32 : i32, i32
  }
  func.func @transform_1(%arg0: i32) -> (i32, i32) {
    %c0_i32 = arith.constant 0 : i32
    %c0_i32_0 = arith.constant 0 : i32
    %c0_i32_1 = arith.constant 0 : i32
    return %c0_i32, %c0_i32_0 : i32, i32
  }
  func.func @transform_2(%arg0: i32) -> (i32, i32) {
    %c0_i32 = arith.constant 0 : i32
    %c0_i32_0 = arith.constant 0 : i32
    %c0_i32_1 = arith.constant 0 : i32
    return %c0_i32, %c0_i32_0 : i32, i32
  }
  func.func @transform_3(%arg0: i32) -> (i32, i32, i32) {
    %c0_i32 = arith.constant 0 : i32
    %c0_i32_0 = arith.constant 0 : i32
    %c0_i32_1 = arith.constant 0 : i32
    return %c0_i32, %arg0, %c0_i32_0 : i32, i32, i32
  }
  func.func @transform_4(%arg0: i32) -> (i32, i32) {
    %c0_i32 = arith.constant 0 : i32
    %c0_i32_0 = arith.constant 0 : i32
    return %arg0, %c0_i32 : i32, i32
  }
}

module attributes {stable_mosaic.version = 14 : i64} {
  func.func @_finalize_body(%arg0: i32, %arg1: memref<2x2048x64xf32, #tpu.memory_space<vmem>>, %arg2: memref<2x2048x1xf32, #tpu.memory_space<vmem>>, %arg3: memref<2048x128xf32, #tpu.memory_space<vmem>>) attributes {dimension_semantics = [#tpu.dimension_semantics<arbitrary>], iteration_bounds = array<i64: 5>, scalar_prefetch = 0 : i64, scratch_operands = 0 : i64, tpu.core_type = #tpu.core_type<tc>, window_params = [{transform_indices = @transform_0, window_bounds = array<i64: 2, 2048, 64>}, {transform_indices = @transform_1, window_bounds = array<i64: 2, 2048, 1>}, {transform_indices = @transform_2, window_bounds = array<i64: 2048, 128>}]} {
    %get3A = arith.constant 0 : index
    %get3A_0 = arith.constant 0 : index
    %get3A_1 = arith.constant 0 : index
    %get3A_2 = vector.load %arg2[%get3A, %get3A_0, %get3A_1] : memref<2x2048x1xf32, #tpu.memory_space<vmem>>, vector<1x2048x1xf32>
    %get3A_3 = vector.shape_cast %get3A_2 : vector<1x2048x1xf32> to vector<2048x1xf32>
    %get3A_4 = arith.constant 1 : index
    %get3A_5 = arith.constant 0 : index
    %get3A_6 = arith.constant 0 : index
    %get3A_7 = vector.load %arg2[%get3A_4, %get3A_5, %get3A_6] : memref<2x2048x1xf32, #tpu.memory_space<vmem>>, vector<1x2048x1xf32>
    %get3A_8 = vector.shape_cast %get3A_7 : vector<1x2048x1xf32> to vector<2048x1xf32>
    %eq3A = arith.constant 0.000000e+00 : f32
    %eq3A_9 = vector.broadcast %eq3A : f32 to vector<2048x1xf32>
    %eq3A_10 = arith.cmpf oeq, %get3A_3, %eq3A_9 : vector<2048x1xf32>
    %jit3A = arith.constant 1.000000e+00 : f32
    %broadcast_in_dim3A = vector.broadcast %jit3A : f32 to vector<2048x1xf32>
    %select_n3A = arith.select %eq3A_10, %broadcast_in_dim3A, %get3A_3 : vector<2048x1xi1>, vector<2048x1xf32>
    %eq3A_11 = arith.constant 0.000000e+00 : f32
    %eq3A_12 = vector.broadcast %eq3A_11 : f32 to vector<2048x1xf32>
    %eq3A_13 = arith.cmpf oeq, %get3A_8, %eq3A_12 : vector<2048x1xf32>
    %jit3A_14 = arith.constant 1.000000e+00 : f32
    %broadcast_in_dim3A_15 = vector.broadcast %jit3A_14 : f32 to vector<2048x1xf32>
    %select_n3A_16 = arith.select %eq3A_13, %broadcast_in_dim3A_15, %get3A_8 : vector<2048x1xi1>, vector<2048x1xf32>
    %get3A_17 = arith.constant 0 : index
    %get3A_18 = arith.constant 0 : index
    %get3A_19 = arith.constant 0 : index
    %get3A_20 = vector.load %arg1[%get3A_17, %get3A_18, %get3A_19] : memref<2x2048x64xf32, #tpu.memory_space<vmem>>, vector<1x2048x64xf32>
    %get3A_21 = vector.shape_cast %get3A_20 : vector<1x2048x64xf32> to vector<2048x64xf32>
    %div3A = vector.broadcast %select_n3A : vector<2048x1xf32> to vector<2048x64xf32>
    %div3A_22 = arith.divf %get3A_21, %div3A : vector<2048x64xf32>
    %get3A_23 = arith.constant 1 : index
    %get3A_24 = arith.constant 0 : index
    %get3A_25 = arith.constant 0 : index
    %get3A_26 = vector.load %arg1[%get3A_23, %get3A_24, %get3A_25] : memref<2x2048x64xf32, #tpu.memory_space<vmem>>, vector<1x2048x64xf32>
    %get3A_27 = vector.shape_cast %get3A_26 : vector<1x2048x64xf32> to vector<2048x64xf32>
    %div3A_28 = vector.broadcast %select_n3A_16 : vector<2048x1xf32> to vector<2048x64xf32>
    %div3A_29 = arith.divf %get3A_27, %div3A_28 : vector<2048x64xf32>
    %concatenate3A = tpu.concatenate %div3A_22, %div3A_29 in 1 : vector<2048x64xf32>, vector<2048x64xf32> -> vector<2048x128xf32>
    %gt3A = arith.constant 0.000000e+00 : f32
    %gt3A_30 = vector.broadcast %gt3A : f32 to vector<2048x128xf32>
    %gt3A_31 = arith.cmpf ogt, %concatenate3A, %gt3A_30 : vector<2048x128xf32>
    %min3A = arith.constant 0.000000e+00 : f32
    %min3A_32 = vector.broadcast %min3A : f32 to vector<2048x128xf32>
    %min3A_33 = arith.minimumf %concatenate3A, %min3A_32 : vector<2048x128xf32>
    %exp3A = math.exp %min3A_33 : vector<2048x128xf32>
    %sub3A = arith.constant 1.000000e+00 : f32
    %sub3A_34 = vector.broadcast %sub3A : f32 to vector<2048x128xf32>
    %sub3A_35 = arith.subf %exp3A, %sub3A_34 : vector<2048x128xf32>
    %select_n3A_36 = arith.select %gt3A_31, %concatenate3A, %sub3A_35 : vector<2048x128xi1>, vector<2048x128xf32>
    %swap3A = arith.constant 0 : index
    %swap3A_37 = arith.constant 0 : index
    %swap3A_38 = vector.load %arg3[%swap3A, %swap3A_37] : memref<2048x128xf32, #tpu.memory_space<vmem>>, vector<2048x128xf32>
    tpu.vector_store %arg3[%swap3A, %swap3A_37], %select_n3A_36 {strides = array<i32>} : memref<2048x128xf32, #tpu.memory_space<vmem>>, vector<2048x128xf32>,
    return
  }
  func.func @transform_0(%arg0: i32) -> (i32, i32, i32) {
    %c0_i32 = arith.constant 0 : i32
    %c0_i32_0 = arith.constant 0 : i32
    %c0_i32_1 = arith.constant 0 : i32
    return %c0_i32, %arg0, %c0_i32_0 : i32, i32, i32
  }
  func.func @transform_1(%arg0: i32) -> (i32, i32, i32) {
    %c0_i32 = arith.constant 0 : i32
    %c0_i32_0 = arith.constant 0 : i32
    %c0_i32_1 = arith.constant 0 : i32
    return %c0_i32, %arg0, %c0_i32_0 : i32, i32, i32
  }
  func.func @transform_2(%arg0: i32) -> (i32, i32) {
    %c0_i32 = arith.constant 0 : i32
    %c0_i32_0 = arith.constant 0 : i32
    return %arg0, %c0_i32 : i32, i32
  }
}

</mosaic_0001>

<sc_bundles>
// kernel: kernel.5.cloned.1.call-start
scs
__scs_entry_jumppad:
0x0: {  	(pc) =	sbr.rel $0x88, $3  }
0x1: {  	(tag) =	ssettag $0x0;
	lr =	simm.s32 $0x1  }
0x2: {  	[smem:$0x3F9C] =	sst lr;
	_ =	strace $0xD0000000  }
0x3: {  	_ = 	snop  }
0x4: {  	_ = 	snop  }
0x5: {  	_ = 	snop  }
0x6: {  	_ = 	snop  }
0x7: {  	_ = 	snop  }
__scs_overlays_trampoline_lowered:
0x8: {  	[smem:$0x3FAB] =	sst s0  }
0x9: {  	[smem:$0x3FAC] =	sst s1  }
0xa: {  	[smem:$0x3FAD] =	sst s2  }
0xb: {  	[smem:$0x3FAE] =	sst s3  }
0xc: {  	[smem:$0x3FAF] =	sst s4  }
0xd: {  	[smem:$0x3FB0] =	sst s5  }
0xe: {  	[smem:$0x3FB1] =	sst s6  }
0xf: {  	[smem:$0x3FB2] =	sst s7  }
0x10: {  	[smem:$0x3FB3] =	sst s8  }
0x11: {  	[smem:$0x3FB4] =	sst s9;
	s0 =	simm.s32 @!p0 $0x0  }
0x12: {  	s1 =	sld [smem:$0x3F9A];
	s0 =	simm.s32 @p0 $0x1  }
0x13: {  	[smem:$0x3FB5] =	sst s0;
	s0 =	simm.s32 @!p1 $0x0  }
0x14: {  	s2 =	sld [smem:$0x3F99];
	s0 =	simm.s32 @p1 $0x1  }
0x15: {  	[smem:$0x3FB6] =	sst s0;
	s0 =	simm.s32 @!p2 $0x0  }
0x16: {  	s3 =	sld [smem:$0x3FDB];
	s0 =	simm.s32 @p2 $0x1  }
0x17: {  	s4 =	simm.s32 $0x1BF5;
	[smem:$0x3FB8] =	sst s0  }
0x18: {  	s0 =	sld [smem:$0x3F9B];
	_ =	swait.ge [sflag:s4], $0x0  }
0x19: {  	s7 =	sld [smem:$0x3F9C]  }
0x1a: {  	s8 =	sadd.s32 $0xFFFFE003, lr  }
0x1b: {  	s9 =	sadd.s32 $0xFFFFFEF7, lr;
	s5 =	simm.s32 $0xFFFFFFFF;
	p2 =	slt.u32 s8, $0xFFFFF086  }
0x1c: {  	p1 =	slt.u32 s9, $0xF7A;
	s5 =	simm.s32 @!p2 $0x0  }
0x1d: {  	s5 =	simm.s32 @p1 $0x1;
	p0 =	seq.s32 s7, s2  }
0x1e: {  	s7 =	smul.u32 @!p0 $0xF7A, s2;
	p2 =	seq.s32 @!p0 s5, $0x0  }
0x1f: {  	s9 =	smul.u32 $0xF7A, s1;
	s8 =	simm.s32 @!p0 $0x1BF5;
	p2 =	por !p2, p0  }
0x20: {  	[sflag:s8] =	ssyncset.s32 @!p0 $0xFFFFF086;
	s6 =	sadd.s32 @!p0 s3, s7;
	s7 =	simm.s32 @!p0 $0x108  }
0x21: {  	s3 =	sadd.s32 s3, s9;
	s6 =	sadd.s32 @!p0 $0x88, s6;
	s7 =	simm.s32 @p2 $0x1082  }
0x22: {  	[simem:s7], [sflag:s8] =	dma.local @!p0 [hbm:s6], $0xF7A  }
0x23: {  	s9 =	sor.u32 $0xD0000000, s2;
	s6 =	simm.s32 $0x108;
	_ =	swait.ge @!p0 [sflag:s8], $0x0  }
0x24: {  	s3 =	sadd.s32 $0x88, s3;
	s6 =	simm.s32 @!p1 $0x1082;
	[sflag:s4] =	ssyncset.s32 $0xFFFFF086  }
0x25: {  	[simem:s6], [sflag:s4] =	dma.local [hbm:s3], $0xF7A  }
0x26: {  	[smem:$0x3F9C] =	sst s1;
	(tag) =	ssettag s2;
	_ =	strace s9  }
0x27: {  	s1 =	sld [smem:$0x3FAC]  }
0x28: {  	s2 =	sld [smem:$0x3FAD]  }
0x29: {  	s4 =	sld [smem:$0x3FAF]  }
0x2a: {  	p0 =	seq.s32 s5, $0x0;
	s5 =	sld [smem:$0x3FB0]  }
0x2b: {  	s6 =	sld [smem:$0x3FB1]  }
0x2c: {  	s7 =	sld [smem:$0x3FB2]  }
0x2d: {  	s3 =	simm.s32 $0x108;
	s8 =	sld [smem:$0x3FB3]  }
0x2e: {  	s3 =	simm.s32 @!p0 $0x1082;
	s9 =	sld [smem:$0x3FB4]  }
0x2f: {  	lr =	sadd.s32 s0, s3;
	s0 =	sld [smem:$0x3FAB]  }
0x30: {  	s3 =	sld [smem:$0x3FAE]  }
0x31: {  	[smem:$0x3FB7] =	sst s10  }
0x32: {  	s10 =	sld [smem:$0x3FB5];
	_ =	sdelay $0x3  }
0x33: {  	p0 =	seq.s32 s10, $0x1;
	s10 =	sld [smem:$0x3FB7];
	_ =	sdelay $0x3  }
0x34: {  	[smem:$0x3FB7] =	sst s10  }
0x35: {  	s10 =	sld [smem:$0x3FB6];
	_ =	sdelay $0x3  }
0x36: {  	p1 =	seq.s32 s10, $0x1;
	s10 =	sld [smem:$0x3FB7];
	_ =	sdelay $0x3  }
0x37: {  	[smem:$0x3FB7] =	sst s10  }
0x38: {  	s10 =	sld [smem:$0x3FB8]  }
0x39: {  	_ = 	snop;
	(pc) =	sbr.ind lr, $3  }
0x3a: {  	_ = 	snop  }
0x3b: {  	_ = 	snop  }
0x3c: {  	p2 =	seq.s32 s10, $0x1;
	s10 =	sld [smem:$0x3FB7]  }
0x3d: {  	_ =	shalt  }
0x3e: {  	_ =	shalt  }
0x3f: {  	_ =	shalt  }
0x40: {  	_ =	shalt  }
0x41: {  	_ =	shalt  }
0x42: {  	_ =	shalt  }
0x43: {  	_ =	shalt  }
0x44: {  	_ =	shalt  }
0x45: {  	_ =	shalt  }
0x46: {  	_ =	shalt  }
0x47: {  	_ =	shalt  }
0x48: {  	_ =	shalt  }
0x49: {  	_ =	shalt  }
0x4a: {  	_ =	shalt  }
0x4b: {  	_ =	shalt  }
0x4c: {  	_ =	shalt  }
0x4d: {  	_ =	shalt  }
0x4e: {  	_ =	shalt  }
0x4f: {  	_ =	shalt  }
0x50: {  	_ =	shalt  }
0x51: {  	_ =	shalt  }
0x52: {  	_ =	shalt  }
0x53: {  	_ =	shalt  }
0x54: {  	_ =	shalt  }
0x55: {  	_ =	shalt  }
0x56: {  	_ =	shalt  }
0x57: {  	_ =	shalt  }
0x58: {  	_ =	shalt  }
0x59: {  	_ =	shalt  }
0x5a: {  	_ =	shalt  }
0x5b: {  	_ =	shalt  }
0x5c: {  	_ =	shalt  }
0x5d: {  	_ =	shalt  }
0x5e: {  	_ =	shalt  }
0x5f: {  	_ =	shalt  }
0x60: {  	_ =	shalt  }
0x61: {  	_ =	shalt  }
0x62: {  	_ =	shalt  }
0x63: {  	_ =	shalt  }
0x64: {  	_ =	shalt  }
0x65: {  	_ =	shalt  }
0x66: {  	_ =	shalt  }
0x67: {  	_ =	shalt  }
0x68: {  	_ =	shalt  }
0x69: {  	_ =	shalt  }
0x6a: {  	_ =	shalt  }
0x6b: {  	_ =	shalt  }
0x6c: {  	_ =	shalt  }
0x6d: {  	_ =	shalt  }
0x6e: {  	_ =	shalt  }
0x6f: {  	_ =	shalt  }
0x70: {  	_ =	shalt  }
0x71: {  	_ =	shalt  }
0x72: {  	_ =	shalt  }
0x73: {  	_ =	shalt  }
0x74: {  	_ =	shalt  }
0x75: {  	_ =	shalt  }
0x76: {  	_ =	shalt  }
0x77: {  	_ =	shalt  }
0x78: {  	_ =	shalt  }
0x79: {  	_ =	shalt  }
0x7a: {  	_ =	shalt  }
0x7b: {  	_ =	shalt  }
0x7c: {  	_ =	shalt  }
0x7d: {  	_ =	shalt  }
0x7e: {  	_ =	shalt  }
0x7f: {  	_ =	shalt  }
0x80: {  	_ =	shalt  }
0x81: {  	_ =	shalt  }
0x82: {  	_ =	shalt  }
0x83: {  	_ =	shalt  }
0x84: {  	_ =	shalt  }
0x85: {  	_ =	shalt  }
0x86: {  	_ =	shalt  }
0x87: {  	_ =	shalt  }
.Lfunc_end0:
.L_simem_size_0:
called_computation_lowered:
.L_overlay_start_0:
0x88: {  	s2 =	sld [smem:$0x3FD9]  }
0x89: {  	s3 =	sld [smem:$0x3FFE];
	_ =	sdelay $0x1  }
0x8a: {  	s1 =	srdreg.scid  }
0x8b: {  	s0 =	sand.u32 $0x1, s1  }
0x8c: {  	s17 =	sshll.u32 s0, $0xA;
	s2 =	sadd.s32 s3, s2  }
0x8d: {  	s2 =	sadd.s32 s2, s17  }
0x8e: {  	[smem:$0x3FC3] =	sst s2  }
0x8f: {  	_ = 	snop  }
0x90: {  	s2 =	sld [smem:$0x3FC8]  }
0x91: {  	s18 =	sld [smem:$0x3FC7]  }
0x92: {  	s4 =	sld [smem:$0x3FD0];
	(tm) =	ssettm $0x1  }
0x93: {  	s5 =	sld [smem:$0x3FFB];
	_ =	sdelay $0x3  }
0x94: {  	_ =	strace s5  }
0x95: {  	s5 =	sld [smem:$0x3FFC];
	_ =	sdelay $0x3  }
0x96: {  	_ =	strace s5  }
0x97: {  	s5 =	sld [smem:$0x3FFD];
	_ =	sdelay $0x3  }
0x98: {  	_ =	strace s5  }
0x99: {  	_ =	strace $0x8FFFFFFF  }
0x9a: {  	s19 =	sld [smem:$0x3FDB];
	_ =	sdelay $0x1  }
0x9b: {  	s6 =	simm.s32 $_scs_section_size  }
0x9c: {  	s7 =	simm.s32 $_size__tile_overlayer_lowered;
	s8 =	simm.s32 $_tile_overlayer_lowered  }
0x9d: {  	s22 =	simm.s32 $0x1BFF;
	s21 =	sshll.u32 s8, $0x1;
	s5 =	sadd.s32 s6, s19  }
0x9e: {  	s9 =	simm.s32 $0x0;
	s20 =	sshll.u32 s7, $0x1;
	s7 =	sadd.s32 s21, s5  }
0x9f: {  	[timem:s9], [sflag:s22] =	dma.local [hbm:s7], s20  }
0xa0: {  	_ =	swait.ge [sflag:s22], s20  }
0xa1: {  	s6 =	ssub.s32 $0x0, s20;
	[sflag:s22] =	ssyncset.done $0x0  }
0xa2: {  	[sflag:s22] =	ssyncadd.s32 s6;
	_ =	sdelay $0x1  }
0xa3: {  	s23 =	simm.s32 $0x1B8B  }
0xa4: {  	_ =	swait.ge [sflag:s23], $0x1  }
0xa5: {  	[sflag:s23] =	ssyncset.done $0x0  }
0xa6: {  	s25 =	simm.s32 $0x1B8E;
	s24 =	sld [smem:$0x3FFE];
	[sflag:s23] =	ssyncadd.s32 $0xFFFFFFFF  }
0xa7: {  	s26 =	simm.s32 $execute0_lowered;
	[smem:$0x3FD2] =	sst s25  }
0xa8: {  	s7 =	sshll.u32 s26, $0x1;
	_ =	strace $0x80000046;
	[dreg:$0x1] =	wrdreg $0xFFFFFFFF  }
0xa9: {  	s28 =	simm.s32 $_size_execute0_lowered;
	s5 =	sadd.s32 s5, s7;
	[dreg:$0x0] =	wrdreg $0x0  }
0xaa: {  	s7 =	sshll.u32 s28, $0x1;
	[dreg:$0x2] =	wrdreg s5  }
0xab: {  	[dreg:$0x3] =	wrdreg s7  }
0xac: {  	[dreg:$0x4] =	wrdreg $0xC0  }
0xad: {  	_ =	task [dreg:s9], $0x5FFFF  }
0xae: {  	[dreg:$0x1] =	wrdreg $0xFFFFFFFF  }
0xaf: {  	[dreg:$0x0] =	wrdreg $0x60  }
0xb0: {  	[dreg:$0x2] =	wrdreg s4  }
0xb1: {  	[dreg:$0x3] =	wrdreg s24  }
0xb2: {  	[dreg:$0x4] =	wrdreg s2  }
0xb3: {  	[dreg:$0x5] =	wrdreg s18  }
0xb4: {  	[dreg:$0x6] =	wrdreg $0x14F000  }
0xb5: {  	[dreg:$0x7] =	wrdreg $0x1EF000  }
0xb6: {  	[dreg:$0x8] =	wrdreg $0x9  }
0xb7: {  	_ =	task.clear_ibuf [dreg:s9], $0x9FFFF;
	_ =	strace $0x90000046  }
0xb8: {  	s29 =	simm.s32 $0x9;
	_ =	strace $0x80000048  }
0xb9: {  	_ =	swait.ge [sflag:s29], $0x1  }
0xba: {  	[sflag:s29] =	ssyncadd.s32 $0xFFFFFFFF  }
0xbb: {  	_ =	strace $0x90000048  }
0xbc: {  	_ =	sfence  }
0xbd: {  	s30 =	sld [smem:$0x0];
	_ =	sdelay $0x2  }
0xbe: {  	s31 =	sshll.u32 s1, $0xD;
	s1 =	sshrl.u32 s1, $0x2  }
0xbf: {  	s3 =	sand.u32 $0x4000, s31;
	s1 =	sadd.s32 s1, s30  }
0xc0: {  	s0 =	sor.u32 s3, s0;
	s1 =	sshll.u32 s1, $0x11  }
0xc1: {  	s0 =	sor.u32 s1, s0  }
0xc2: {  	s0 =	sadd.s32 $0x8F2B, s0  }
0xc3: {  	[sflag:s0] =	ssyncadd.remote.s32 $0x1  }
0xc4: {  	_ =	sfence.sel $0xFFFF  }
0xc5: {  	[dreg:$0x0] =	wrdreg $0xFFFFFFFF;
	(pc) =	sbr.abs _section_cstart, $3  }
0xc6: {  	[dreg:$0x1] =	wrdreg $0xFFFFFFFF  }
0xc7: {  	_ =	task.clear_ibuf [dreg:s9], $0x2FFFF;
	_ =	strace $0x9FFFFFFF  }
0xc8: {  	(tm) =	ssettm $0x7FFFFFFF  }
0xc9: {  	_ =	shalt  }
tec
execute0_lowered:
.L_overlay_start_1:
0x0: {  	(tag) =	ssettag $0x1  }
0x1: {  	s1 =	rddreg [dreg:$0x0]  }
0x2: {  	s2 =	rddreg [dreg:$0x1]  }
0x3: {  	s3 =	rddreg [dreg:$0x2]  }
0x4: {  	s5 =	rddreg [dreg:$0x3]  }
0x5: {  	s0 =	rddreg [dreg:$0x4];
	s4 =	srdreg.scid  }
0x6: {  	s23 =	stileid.u32;
	s20 =	rddreg [dreg:$0x5]  }
0x7: {  	s28 =	simm.s32 $0x50;
	s29 =	simm.s32 $0xEAB0;
	s7 =	smul.u32 $0xA000, s23  }
0x8: {  	s30 =	simm.s32 $0x126B0;
	s31 =	simm.s32 $0x1;
	s19 =	smul.u32 $0x280, s23  }
0x9: {  	s6 =	sand.u32 $0x1, s4;
	s4 =	simm.s32 $0x0;
	s21 =	smul.u32 $0x28000, s23  }
0xa: {  	s10 =	sadd.s32 $0xE00, s2;
	s18 =	sadd.s32 $0x800, s2;
	s16 =	smul.u32 $0x9C4, s23  }
0xb: {  	p0 =	sne.s32 s23, $0x0;
	s23 =	simm.s32 $0xFEB0;
	s8 =	smul.u32 $0xA0000, s6  }
0xc: {  	[smem:$0x7FF] =	sst s4;
	s9 =	smul.u32 $0x2800, s6;
	s11 =	ssub.s32 $0x2, s6  }
0xd: {  	s6 =	smul.u32 $0x13880, s6;
	_ =	strace $0x80000047;
	[dreg:$0x7] =	wrdreg s10  }
0xe: {  	[dreg:$0x8] =	wrdreg s18;
	s22 =	sshrl.u32 s11, $0x1;
	s10 =	sshrl.u32 s21, $0x2  }
0xf: {  	s15 =	sadd.s32 s3, s16;
	s16 =	sadd.s32 s5, s16;
	s26 =	sadd.s32 s19, s20  }
0x10: {  	s21 =	simm.s32 $0x112B0;
	s8 =	sadd.s32 s7, s8;
	s9 =	sadd.s32 s19, s9  }
0x11: {  	s7 =	sadd.s32 s7, s0;
	s14 =	sadd.s32 s10, s0;
	s17 =	sadd.s32 s1, s6  }
0x12: {  	s1 =	simm.s32 $0xEA60;
	s8 =	sshrl.u32 s8, $0x3;
	s9 =	sshrl.u32 s9, $0x3  }
0x13: {  	s10 =	sadd.s32 $0x1400, s14;
	s24 =	sadd.s32 $0x2800, s14;
	s25 =	sadd.s32 $0x3C00, s14  }
0x14: {  	s12 =	sadd.s32 $0x6400, s14;
	s13 =	sadd.s32 $0x7800, s14;
	[dreg:$0x9] =	wrdreg s10  }
0x15: {  	s8 =	sadd.s32 s8, s2;
	s2 =	sadd.s32 s9, s2;
	[dreg:$0xa] =	wrdreg s24  }
0x16: {  	s9 =	ssub.s32 s11, s22;
	[dreg:$0xb] =	wrdreg s25;
	s11 =	sadd.s32 $0x5000, s14  }
0x17: {  	v0 =	vlaneseq.u32;
	s14 =	sadd.s32 $0x8C00, s14;
	s10 =	smov.u32 s20;
	s22 =	simm.s32 $0x2  }
0x18: {  	v1 =	vimm.f32 $0.0e+00;
	v2 =	vor.u32 $0x10, v0;
	s24 =	simm.s32 $0x9C40;
	s25 =	sshrl.u32 s26, $0x3;
	s26 =	simm.s32 $0xC350  }
0x19: {  	v3 =	vor.u32 $0x20, v0;
	v4 =	vor.u32 $0x30, v0;
	v5 =	vor.u32 $0x40, v0;
	s18 =	sadd.s32 $0x29400, s2;
	s19 =	sadd.s32 $0x1400, s8;
	s20 =	smax.u32 s9, $0x1  }
.LBB2_1:
0x1a: {  	s3 =	simm.s32 $0x100;
	s2 =	simm.s32 $0x0  }
.LBB2_2:
0x1b: {  	p1 =	sne.s32 s3, $0x4F00;
	[tilespmem:s2+$0x112E0] =	vst v1;
	s5 =	smov.u32 s3;
	s3 =	sadd.s32 $0x100, s3  }
.Ltmp0:
0x1c: {  	[tilespmem:s2+$0x112D0] =	vst v1;
	(pc) =	sbr.rel @p1 .LBB2_2-.Ltmp0, $3  }
0x1d: {  	[tilespmem:s2+$0x112B0] =	vst v1  }
0x1e: {  	[tilespmem:s2+$0x112C0] =	vst v1;
	_ =	sdelay $0x1  }
0x1f: {  	s2 =	sshra.s32 s5, $0x2  }
0x20: {  	[tilespmem:s2+$0x112E0] =	vst v1  }
0x21: {  	[tilespmem:s2+$0x112D0] =	vst v1  }
0x22: {  	[tilespmem:s2+$0x112B0] =	vst v1  }
0x23: {  	[tilespmem:s2+$0x112C0] =	vst v1  }
0x24: {  	[spmem:s7] =	stream.linear.scatter [tilespmem:s21], [sflag:$0x2], $0x1400, $0x38;
	[tilespmem:$0x1F180] =	vst v63  }
0x25: {  	_ =	swait.ge [sflag:s22], $0x1400  }
0x26: {  	[sflag:s22] =	ssyncset.done $0x0  }
0x27: {  	s6 =	rddreg [dreg:$0x9];
	[sflag:s22] =	ssyncadd.s32 $0xFFFFEC00  }
0x28: {  	[spmem:s6] =	stream.linear.scatter [tilespmem:s21], [sflag:$0x2], $0x1400, $0x38;
	[tilespmem:$0x1F180] =	vst v63  }
0x29: {  	_ =	swait.ge [sflag:s22], $0x1400  }
0x2a: {  	[sflag:s22] =	ssyncset.done $0x0  }
0x2b: {  	s8 =	rddreg [dreg:$0xa];
	[sflag:s22] =	ssyncadd.s32 $0xFFFFEC00  }
0x2c: {  	[spmem:s8] =	stream.linear.scatter [tilespmem:s21], [sflag:$0x2], $0x1400, $0x38;
	[tilespmem:$0x1F180] =	vst v63  }
0x2d: {  	_ =	swait.ge [sflag:s22], $0x1400  }
0x2e: {  	[sflag:s22] =	ssyncset.done $0x0  }
0x2f: {  	s9 =	rddreg [dreg:$0xb];
	[sflag:s22] =	ssyncadd.s32 $0xFFFFEC00  }
0x30: {  	[spmem:s9] =	stream.linear.scatter [tilespmem:s21], [sflag:$0x2], $0x1400, $0x38;
	[tilespmem:$0x1F180] =	vst v63  }
0x31: {  	_ =	swait.ge [sflag:s22], $0x1400  }
0x32: {  	[sflag:s22] =	ssyncset.done $0x0  }
0x33: {  	[sflag:s22] =	ssyncadd.s32 $0xFFFFEC00  }
0x34: {  	[spmem:s11] =	stream.linear.scatter [tilespmem:s21], [sflag:$0x2], $0x1400, $0x38;
	[tilespmem:$0x1F180] =	vst v63  }
0x35: {  	_ =	swait.ge [sflag:s22], $0x1400  }
0x36: {  	[sflag:s22] =	ssyncset.done $0x0  }
0x37: {  	[sflag:s22] =	ssyncadd.s32 $0xFFFFEC00  }
0x38: {  	[spmem:s12] =	stream.linear.scatter [tilespmem:s21], [sflag:$0x2], $0x1400, $0x38;
	[tilespmem:$0x1F180] =	vst v63  }
0x39: {  	_ =	swait.ge [sflag:s22], $0x1400  }
0x3a: {  	[sflag:s22] =	ssyncset.done $0x0  }
0x3b: {  	[sflag:s22] =	ssyncadd.s32 $0xFFFFEC00  }
0x3c: {  	[spmem:s13] =	stream.linear.scatter [tilespmem:s21], [sflag:$0x2], $0x1400, $0x38;
	[tilespmem:$0x1F180] =	vst v63  }
0x3d: {  	_ =	swait.ge [sflag:s22], $0x1400  }
0x3e: {  	[sflag:s22] =	ssyncset.done $0x0  }
0x3f: {  	[sflag:s22] =	ssyncadd.s32 $0xFFFFEC00  }
0x40: {  	[spmem:s14] =	stream.linear.scatter [tilespmem:s21], [sflag:$0x2], $0x1400, $0x38;
	[tilespmem:$0x1F180] =	vst v63  }
0x41: {  	_ =	swait.ge [sflag:s22], $0x1400  }
0x42: {  	[sflag:s22] =	ssyncset.done $0x0  }
0x43: {  	s2 =	simm.s32 $0x0;
	s3 =	simm.s32 $0x200;
	[sflag:s22] =	ssyncadd.s32 $0xFFFFEC00  }
.LBB2_4:
0x44: {  	p1 =	sne.s32 s3, $0x9E00;
	[tilespmem:s2+$0x12720] =	vst v1  }
0x45: {  	[tilespmem:s2+$0x126B0] =	vst v1  }
0x46: {  	[tilespmem:s2+$0x126C0] =	vst v1  }
.Ltmp1:
0x47: {  	[tilespmem:s2+$0x126D0] =	vst v1;
	(pc) =	sbr.rel @p1 .LBB2_4-.Ltmp1, $4  }
0x48: {  	[tilespmem:s2+$0x126E0] =	vst v1  }
0x49: {  	[tilespmem:s2+$0x126F0] =	vst v1  }
0x4a: {  	[tilespmem:s2+$0x12700] =	vst v1  }
0x4b: {  	[tilespmem:s2+$0x12710] =	vst v1;
	s2 =	sshra.s32 s3, $0x2;
	s3 =	sadd.s32 $0x200, s3  }
0x4c: {  	[tilespmem:s2+$0x12720] =	vst v1  }
0x4d: {  	[tilespmem:s2+$0x126B0] =	vst v1  }
0x4e: {  	[tilespmem:s2+$0x126C0] =	vst v1  }
0x4f: {  	[tilespmem:s2+$0x126D0] =	vst v1  }
0x50: {  	[tilespmem:s2+$0x126E0] =	vst v1  }
0x51: {  	[tilespmem:s2+$0x126F0] =	vst v1  }
0x52: {  	[tilespmem:s2+$0x12700] =	vst v1  }
0x53: {  	[tilespmem:s2+$0x12710] =	vst v1  }
0x54: {  	[tilespmem:$0x14EB0] =	vst v0  }
0x55: {  	[tilespmem:$0x14EC0] =	vst v2  }
0x56: {  	[tilespmem:$0x14ED0] =	vst v3  }
0x57: {  	[tilespmem:$0x14EE0] =	vst v4  }
0x58: {  	s2 =	simm.s32 @!p0 $0x126B0;
	[tilespmem:$0x14EF0] =	vst v5  }
0x59: {  	[spmem:s10] =	stream.linear.scatter @!p0 [tilespmem:s2], [sflag:$0x2], $0x2800, $0x38;
	[tilespmem:$0x1F180] =	vst v63  }
0x5a: {  	s2 =	simm.s32 @!p0 $0x2  }
0x5b: {  	_ =	swait.ge @!p0 [sflag:s2], $0x2800  }
0x5c: {  	[sflag:s2] =	ssyncset.done @!p0 $0x0  }
0x5d: {  	[sflag:s2] =	ssyncadd.s32 @!p0 $0xFFFFD800;
	s2 =	simm.s32 $0x0  }
0x5e: {  	[tilespmem:s2], [sflag:$0x2] =	stream.linear.gather [hbm4b:s15+s2], $0x4E20, $0x38;
	[tilespmem:$0x1F180] =	vst v63  }
0x5f: {  	_ =	swait.ge [sflag:s22], $0x4E20  }
0x60: {  	[sflag:s22] =	ssyncset.done $0x0  }
0x61: {  	s3 =	simm.s32 $0x4E20;
	[sflag:s22] =	ssyncadd.s32 $0xFFFFB1E0  }
0x62: {  	[tilespmem:s3], [sflag:$0x2] =	stream.linear.gather [hbm4b:s16+s2], $0x4E20, $0x38;
	[tilespmem:$0x1F180] =	vst v63  }
0x63: {  	_ =	swait.ge [sflag:s22], $0x4E20  }
0x64: {  	[sflag:s22] =	ssyncset.done $0x0  }
0x65: {  	s8 =	rddreg [dreg:$0x7];
	[sflag:s22] =	ssyncadd.s32 $0xFFFFB1E0  }
0x66: {  	[tilespmem:s24], [sflag:$0x2] =	stream.linear.gather [hbm4b:s8+s2], $0x2710, $0x38;
	[tilespmem:$0x1F180] =	vst v63  }
0x67: {  	_ =	swait.ge [sflag:s22], $0x2710  }
0x68: {  	[sflag:s22] =	ssyncset.done $0x0  }
0x69: {  	s9 =	rddreg [dreg:$0x8];
	[sflag:s22] =	ssyncadd.s32 $0xFFFFD8F0  }
0x6a: {  	[tilespmem:s26], [sflag:$0x2] =	stream.linear.gather [hbm4b:s9+s2], $0x2710, $0x38;
	[tilespmem:$0x1F180] =	vst v63  }
0x6b: {  	_ =	swait.ge [sflag:s22], $0x2710  }
0x6c: {  	[sflag:s22] =	ssyncset.done $0x0  }
0x6d: {  	[sflag:s22] =	ssyncadd.s32 $0xFFFFD8F0  }
0x6e: {  	s3 =	simm.s32 $0x0;
	[bflag:$0x0] =	sbarrier.arrive $0xFFFF  }
.LBB2_6:
0x6f: {  	s5 =	smul.u32 $0x50, s3;
	_ =	sdelay $0x1  }
0x70: {  	[tilespmem:s29], [sflag:$0x1] =	stream.indirect.gather [hbm4b:s17+s28], $0x40, s5, s28, $0xb8;
	[tilespmem:$0x1F180] =	vst v63  }
0x71: {  	v6 =	vld [tilespmem:s5+$0x0]  }
0x72: {  	v7 =	vld [tilespmem:s5+$0x4E20];
	_ =	sdelay $0x6  }
0x73: {  	v6 =	vld.idx.msk [tilespmem:v6+s24+$0x0], $0xffff  }
0x74: {  	v8 =	vld.idx.msk [tilespmem:v7+s26+$0x0], $0xffff;
	_ =	sdelay $0x4  }
0x75: {  	v6 =	vadd.f32 v8, v6;
	_ =	sdelay $0x1  }
0x76: {  	v8 =	vmul.f32 $2.000000030e-01, v6  }
0x77: {  	vm0 =	vgt.f32 v6, $0.0e+00  }
0x78: {  	v6 =	vsel vm0, v6, v8  }
0x79: {  	v6 =	vmul.f32 $1.442695020e+00, v6;
	_ =	sdelay $0x1  }
0x7a: {  	(erf) = vpow2.f32 v6;
	_ =	sdelay $0x8  }
0x7b: {  	v6 =	vpop (erf)  }
0x7c: {  	[tilespmem:$0xEA60] =	vst v6  }
0x7d: {  	[tilespmem:v7+s30+$0x0] =	vst.idx.add.f32.msk $0xffff, v6  }
0x7e: {  	v6 =	vld [tilespmem:s5+$0x10]  }
0x7f: {  	v7 =	vld [tilespmem:s5+$0x4E30];
	_ =	sdelay $0x6  }
0x80: {  	v6 =	vld.idx.msk [tilespmem:v6+s24+$0x0], $0xffff  }
0x81: {  	v8 =	vld.idx.msk [tilespmem:v7+s26+$0x0], $0xffff;
	_ =	sdelay $0x4  }
0x82: {  	v6 =	vadd.f32 v8, v6;
	_ =	sdelay $0x1  }
0x83: {  	v8 =	vmul.f32 $2.000000030e-01, v6  }
0x84: {  	vm12 =	vgt.f32 v6, $0.0e+00  }
0x85: {  	v6 =	vsel vm12, v6, v8  }
0x86: {  	v6 =	vmul.f32 $1.442695020e+00, v6;
	_ =	sdelay $0x1  }
0x87: {  	(erf) = vpow2.f32 v6;
	_ =	sdelay $0x8  }
0x88: {  	v6 =	vpop (erf)  }
0x89: {  	[tilespmem:$0xEA70] =	vst v6  }
0x8a: {  	[tilespmem:v7+s30+$0x0] =	vst.idx.add.f32.msk $0xffff, v6  }
0x8b: {  	v6 =	vld [tilespmem:s5+$0x20]  }
0x8c: {  	v7 =	vld [tilespmem:s5+$0x4E40];
	_ =	sdelay $0x6  }
0x8d: {  	v6 =	vld.idx.msk [tilespmem:v6+s24+$0x0], $0xffff  }
0x8e: {  	v8 =	vld.idx.msk [tilespmem:v7+s26+$0x0], $0xffff;
	_ =	sdelay $0x4  }
0x8f: {  	v6 =	vadd.f32 v8, v6;
	_ =	sdelay $0x1  }
0x90: {  	v8 =	vmul.f32 $2.000000030e-01, v6  }
0x91: {  	vm13 =	vgt.f32 v6, $0.0e+00  }
0x92: {  	v6 =	vsel vm13, v6, v8  }
0x93: {  	v6 =	vmul.f32 $1.442695020e+00, v6;
	_ =	sdelay $0x1  }
0x94: {  	(erf) = vpow2.f32 v6;
	_ =	sdelay $0x8  }
0x95: {  	v6 =	vpop (erf)  }
0x96: {  	[tilespmem:$0xEA80] =	vst v6  }
0x97: {  	[tilespmem:v7+s30+$0x0] =	vst.idx.add.f32.msk $0xffff, v6  }
0x98: {  	v6 =	vld [tilespmem:s5+$0x30]  }
0x99: {  	v7 =	vld [tilespmem:s5+$0x4E50];
	_ =	sdelay $0x6  }
0x9a: {  	v6 =	vld.idx.msk [tilespmem:v6+s24+$0x0], $0xffff  }
0x9b: {  	v8 =	vld.idx.msk [tilespmem:v7+s26+$0x0], $0xffff;
	_ =	sdelay $0x4  }
0x9c: {  	v6 =	vadd.f32 v8, v6;
	_ =	sdelay $0x1  }
0x9d: {  	v8 =	vmul.f32 $2.000000030e-01, v6  }
0x9e: {  	vm14 =	vgt.f32 v6, $0.0e+00  }
0x9f: {  	v6 =	vsel vm14, v6, v8  }
0xa0: {  	v6 =	vmul.f32 $1.442695020e+00, v6;
	_ =	sdelay $0x1  }
0xa1: {  	(erf) = vpow2.f32 v6;
	_ =	sdelay $0x8  }
0xa2: {  	v6 =	vpop (erf)  }
0xa3: {  	[tilespmem:$0xEA90] =	vst v6  }
0xa4: {  	[tilespmem:v7+s30+$0x0] =	vst.idx.add.f32.msk $0xffff, v6  }
0xa5: {  	v6 =	vld [tilespmem:s5+$0x40]  }
0xa6: {  	v7 =	vld [tilespmem:s5+$0x4E60];
	_ =	sdelay $0x6  }
0xa7: {  	v6 =	vld.idx.msk [tilespmem:v6+s24+$0x0], $0xffff  }
0xa8: {  	v8 =	vld.idx.msk [tilespmem:v7+s26+$0x0], $0xffff;
	_ =	sdelay $0x4  }
0xa9: {  	v6 =	vadd.f32 v8, v6;
	_ =	sdelay $0x1  }
0xaa: {  	v8 =	vmul.f32 $2.000000030e-01, v6  }
0xab: {  	vm15 =	vgt.f32 v6, $0.0e+00  }
0xac: {  	v6 =	vsel vm15, v6, v8  }
0xad: {  	v6 =	vmul.f32 $1.442695020e+00, v6;
	_ =	sdelay $0x1  }
0xae: {  	(erf) = vpow2.f32 v6;
	_ =	sdelay $0x8  }
0xaf: {  	v6 =	vpop (erf)  }
0xb0: {  	v8 =	vmov s2;
	[tilespmem:$0xEAA0] =	vst v6  }
0xb1: {  	[tilespmem:v7+s30+$0x0] =	vst.idx.add.f32.msk $0xffff, v6  }
0xb2: {  	_ =	swait.ge [sflag:s31], $0x1400  }
0xb3: {  	[sflag:s31] =	ssyncset.done $0x0  }
0xb4: {  	[sflag:s31] =	ssyncadd.s32 $0xFFFFEC00  }
0xb5: {  	s6 =	simm.s32 $0xEAD0;
	v6 =	vld.idx.msk [tilespmem:v8+s1+$0x0], $0xffff  }
0xb6: {  	v7 =	vld [tilespmem:s6+$0xFFFFFFE0];
	_ =	sdelay $0x4  }
0xb7: {  	v7 =	vmul.f32 v7, v6  }
0xb8: {  	s8 =	simm.s32 $0xFED0  }
0xb9: {  	[tilespmem:s8+$0xFFFFFFE0] =	vst v7  }
0xba: {  	v7 =	vld [tilespmem:s6+$0xFFFFFFF0];
	_ =	sdelay $0x4  }
0xbb: {  	v7 =	vmul.f32 v7, v6;
	_ =	sdelay $0x1  }
0xbc: {  	[tilespmem:s8+$0xFFFFFFF0] =	vst v7  }
0xbd: {  	v7 =	vld [tilespmem:s6+$0x0];
	_ =	sdelay $0x4  }
0xbe: {  	v7 =	vmul.f32 v7, v6;
	_ =	sdelay $0x1  }
0xbf: {  	[tilespmem:s8+$0x0] =	vst v7  }
0xc0: {  	v8 =	vld [tilespmem:s6+$0x10];
	_ =	sdelay $0x1  }
0xc1: {  	s9 =	simm.s32 $0x1  }
0xc2: {  	s5 =	sadd.s32 $0x4E20, s5;
	v7 =	vmov s9;
	s9 =	simm.s32 $0x2  }
.LBB2_7:
0xc3: {  	p1 =	sne.s32 s9, $0x4F  }
0xc4: {  	v6 =	vmul.f32 v8, v6;
	_ =	sdelay $0x1  }
0xc5: {  	[tilespmem:s8+$0x10] =	vst v6  }
0xc6: {  	s6 =	sadd.s32 $0x40, s6;
	v6 =	vld.idx.msk [tilespmem:v7+s1+$0x0], $0xffff  }
0xc7: {  	v7 =	vld [tilespmem:s6+$0xFFFFFFE0];
	_ =	sdelay $0x4  }
0xc8: {  	v7 =	vmul.f32 v7, v6  }
0xc9: {  	s8 =	sadd.s32 $0x40, s8  }
0xca: {  	[tilespmem:s8+$0xFFFFFFE0] =	vst v7  }
0xcb: {  	v7 =	vld [tilespmem:s6+$0xFFFFFFF0];
	_ =	sdelay $0x4  }
0xcc: {  	v7 =	vmul.f32 v7, v6;
	_ =	sdelay $0x1  }
0xcd: {  	[tilespmem:s8+$0xFFFFFFF0] =	vst v7  }
0xce: {  	v7 =	vld [tilespmem:s6+$0x0];
	_ =	sdelay $0x4  }
0xcf: {  	v7 =	vmul.f32 v7, v6;
	_ =	sdelay $0x1  }
.Ltmp2:
0xd0: {  	[tilespmem:s8+$0x0] =	vst v7;
	(pc) =	sbr.rel @p1 .LBB2_7-.Ltmp2, $2  }
0xd1: {  	v8 =	vld [tilespmem:s6+$0x10];
	_ =	sdelay $0x2  }
0xd2: {  	v7 =	vmov s9;
	s9 =	sadd.s32 $0x1, s9  }
0xd3: {  	_ = 	snop  }
0xd4: {  	v6 =	vmul.f32 v8, v6;
	_ =	sdelay $0x1  }
0xd5: {  	[tilespmem:s8+$0x10] =	vst v6  }
0xd6: {  	s6 =	sadd.s32 $0x40, s6;
	v6 =	vld.idx.msk [tilespmem:v7+s1+$0x0], $0xffff  }
0xd7: {  	v7 =	vld [tilespmem:s6+$0xFFFFFFE0];
	_ =	sdelay $0x4  }
0xd8: {  	v7 =	vmul.f32 v7, v6  }
0xd9: {  	s9 =	sadd.s32 $0x40, s8  }
0xda: {  	[tilespmem:s9+$0xFFFFFFE0] =	vst v7  }
0xdb: {  	v7 =	vld [tilespmem:s6+$0xFFFFFFF0];
	_ =	sdelay $0x4  }
0xdc: {  	v7 =	vmul.f32 v7, v6;
	_ =	sdelay $0x1  }
0xdd: {  	[tilespmem:s9+$0xFFFFFFF0] =	vst v7  }
0xde: {  	v7 =	vld [tilespmem:s6+$0x0];
	_ =	sdelay $0x4  }
0xdf: {  	v7 =	vmul.f32 v7, v6;
	_ =	sdelay $0x1  }
0xe0: {  	[tilespmem:s9+$0x0] =	vst v7  }
0xe1: {  	v7 =	vld [tilespmem:s6+$0x10];
	_ =	sdelay $0x4  }
0xe2: {  	s3 =	sadd.s32 $0x1, s3;
	v6 =	vmul.f32 v7, v6  }
0xe3: {  	p1 =	sne.s32 s3, $0xFA  }
.Ltmp3:
0xe4: {  	[tilespmem:s9+$0x10] =	vst v6;
	(pc) =	sbr.rel @p1 .LBB2_6-.Ltmp3, $4  }
0xe5: {  	[spmem:s0] =	stream.indirect.scatter.add.f32 [tilespmem:s23], [sflag:$0x2], $0x40, s5, s28, $0xb8;
	[tilespmem:$0x1F180] =	vst v63  }
0xe6: {  	_ =	swait.ge [sflag:s22], $0x1400  }
0xe7: {  	[sflag:s22] =	ssyncset.done $0x0  }
0xe8: {  	[sflag:s22] =	ssyncadd.s32 $0xFFFFEC00  }
0xe9: {  	s2 =	simm.s32 $0x14EB0  }
0xea: {  	[spmem:s10] =	stream.indirect.scatter.add.f32 [tilespmem:s30], [sflag:$0x2], $0x80, s2, s28, $0xb8;
	[tilespmem:$0x1F180] =	vst v63  }
0xeb: {  	_ =	swait.ge [sflag:s22], $0x2800  }
0xec: {  	s9 =	stileid.u32;
	[sflag:s22] =	ssyncset.done $0x0  }
0xed: {  	s2 =	sshll.u32 s9, $0x6;
	[sflag:s22] =	ssyncadd.s32 $0xFFFFD800  }
0xee: {  	s2 =	sor.u32 $0x1C02, s2;
	[bflag:$0x0] =	sbarrier.arrive $0xFFFF  }
0xef: {  	[hbm:s18], [sflag:s2] =	dma.local [spmem:s25], $0x50  }
0xf0: {  	s4 =	sadd.s32 $0x1, s4;
	_ =	swait.ge [sflag:s22], $0x50  }
0xf1: {  	p1 =	sne.s32 s4, s20;
	[sflag:s22] =	ssyncset.done $0x0  }
.Ltmp4:
0xf2: {  	s3 =	sshrl.u32 s7, $0x3;
	[sflag:s22] =	ssyncadd.s32 $0xFFFFFFB0;
	(pc) =	sbr.rel @p1 .LBB2_1-.Ltmp4, $4  }
0xf3: {  	[hbm:s19], [sflag:s2] =	dma.local [spmem:s3], $0x1400  }
0xf4: {  	_ =	swait.ge [sflag:s22], $0x1400  }
0xf5: {  	[sflag:s22] =	ssyncset.done $0x0  }
0xf6: {  	[sflag:s22] =	ssyncadd.s32 $0xFFFFEC00  }
0xf7: {  	_ =	sfence.sel $0x180000  }
0xf8: {  	[bflag:$0x0] =	sbarrier.arrive $0xFFFF  }
0xf9: {  	_ =	strace $0x90000047  }
0xfa: {  	[bflag:$0x2] =	sbarrier.arrive $0xFFFF  }
0xfb: {  	s0 =	rddreg [dreg:$0x6]  }
0xfc: {  	s0 =	sadd.s32 @!p0 $0x100000, s0  }
0xfd: {  	[sflag:s0] =	ssyncadd.tile.s32 @!p0 $0x1;
	_ =	shalt  }
.Lfunc_end2:
_tile_overlayer_lowered:
.L_overlay_start_2:
0xfe: {  	(tag) =	ssettag $0x2  }
0xff: {  	s0 =	rddreg [dreg:$0x0];
	s2 =	stileid.u32  }
0x100: {  	s1 =	rddreg [dreg:$0x1];
	p0 =	sne.s32 s2, $0x0  }
0x101: {  	s3 =	rddreg [dreg:$0x2];
	[bflag:$0x3] =	sbarrier.arrive $0xFFFF;
	s2 =	simm.s32 @!p0 $0x1C02  }
0x102: {  	[timem:s3], [sflag:s2] =	dma.local @!p0 [hbm:s0], s1  }
0x103: {  	s0 =	simm.s32 @!p0 $0x2  }
0x104: {  	_ =	swait.ge @!p0 [sflag:s0], s1  }
0x105: {  	s1 =	ssub.s32 @!p0 $0x0, s1;
	[sflag:s0] =	ssyncset.done @!p0 $0x0  }
0x106: {  	[sflag:s0] =	ssyncadd.s32 @!p0 s1  }
0x107: {  	[bflag:$0x3] =	sbarrier.arrive $0xFFFF  }
0x108: {  	_ =	shalt  }

</sc_bundles>
